<compile_context>
chip_gen: v7x
topology: tpu7x:2x2x1
jax: 0.10.2.dev20260603
libtpu: 0.0.44.dev20260713+nightly
codegen_flags: <defaults>
</compile_context>

<pallas_src>
import functools

import jax
import jax.numpy as jnp
from jax import lax
from jax.experimental import pallas as pl
from jax.experimental.pallas import tpu as pltpu
from jax.experimental.pallas import tpu_sc as plsc

N_ROWS = 10000
B = 4096
HW = 121
F = 64
CD = 4
CDP = 16

NC = 2
NS = 16
NW = NC * NS
CPW = B // NW
FB = 4
SPW = F // FB
WORK = HW * SPW
TRIPS = 31
JBLK = 16


def _sc_coords(coords_hbm, idx_hbm, lab_hbm, idx_v, cbuf, csem):
    wid = lax.axis_index("s") * NC + lax.axis_index("c")
    pltpu.sync_copy(idx_hbm.at[pl.ds(wid * CPW, CPW)], idx_v)
    pltpu.async_copy(coords_hbm.at[idx_v], cbuf, csem).wait()
    pltpu.sync_copy(cbuf, lab_hbm.at[pl.ds(wid * CPW, CPW)])


def _sc_gather(tab_hbm, idx_hbm, out_hbm,
               idx_v, s0, s1, o0, o1, ls0, ls1, os0, os1):
    wid = lax.axis_index("s") * NC + lax.axis_index("c")

    pltpu.sync_copy(idx_hbm, idx_v)

    sbufs = (s0, s1)
    obufs = (o0, o1)
    lsems = (ls0, ls1)
    osems = (os0, os1)

    def cr(t):
        u = wid + t * NW
        return u, u // SPW, (u % SPW) * FB

    for k in (0, 1):
        _, c, r = cr(k)
        pltpu.async_copy(tab_hbm.at[c, pl.ds(r, FB)], sbufs[k], lsems[k])

    def pair(t2, carry):
        for k in (0, 1):
            t = 2 * t2 + k
            u, c, r = cr(t)

            @pl.when(u < WORK)
            def _(k=k, t=t, c=c, r=r):
                pltpu.make_async_copy(
                    tab_hbm.at[c, pl.ds(r, FB)], sbufs[k], lsems[k]).wait()

                @pl.when(t2 > 0)
                def _():
                    pltpu.make_async_copy(
                        obufs[k], out_hbm.at[c, pl.ds(r, FB)], osems[k]).wait()

                def jblock(jb4, carry2):
                    vals = []
                    for q in range(4):
                        jb = jb4 * 4 + q
                        cols = idx_v[pl.ds(jb * JBLK, JBLK)]
                        for f in range(FB):
                            rowv = jnp.full((JBLK,), f, jnp.int32)
                            vals.append(
                                (f, jb, plsc.load_gather(sbufs[k],
                                                         [rowv, cols])))
                    for f, jb, v in vals:
                        obufs[k][f, pl.ds(jb * JBLK, JBLK)] = v
                    return carry2

                lax.fori_loop(0, B // JBLK // 4, jblock, 0)

                pltpu.async_copy(obufs[k], out_hbm.at[c, pl.ds(r, FB)],
                                 osems[k])

                u2, c2, r2 = cr(t + 2)

                @pl.when(u2 < WORK)
                def _():
                    pltpu.async_copy(tab_hbm.at[c2, pl.ds(r2, FB)],
                                     sbufs[k], lsems[k])

        return carry

    lax.fori_loop(0, TRIPS, pair, 0)

    for k in (0, 1):
        pltpu.make_async_copy(
            obufs[k], out_hbm.at[0, pl.ds(0, FB)], osems[k]).wait()


@jax.jit
def _run(tab3, indices, coords_p):
    mesh = plsc.VectorSubcoreMesh(core_axis_name="c", subcore_axis_name="s")
    k = pl.kernel(
        _sc_gather,
        out_type=jax.ShapeDtypeStruct((HW, F, B), jnp.float32),
        mesh=mesh,
        scratch_types=[
            pltpu.VMEM((B,), jnp.int32),
            pltpu.VMEM((FB, N_ROWS), jnp.float32),
            pltpu.VMEM((FB, N_ROWS), jnp.float32),
            pltpu.VMEM((FB, B), jnp.float32),
            pltpu.VMEM((FB, B), jnp.float32),
            pltpu.SemaphoreType.DMA,
            pltpu.SemaphoreType.DMA,
            pltpu.SemaphoreType.DMA,
            pltpu.SemaphoreType.DMA,
        ],
        compiler_params=pltpu.CompilerParams(
            use_tc_tiling_on_sc=True, needs_layout_passes=False),
    )
    kc = pl.kernel(
        _sc_coords,
        out_type=jax.ShapeDtypeStruct((B, CDP), jnp.float32),
        mesh=plsc.VectorSubcoreMesh(core_axis_name="c", subcore_axis_name="s"),
        scratch_types=[
            pltpu.VMEM((CPW,), jnp.int32),
            pltpu.VMEM((CPW, CDP), jnp.float32),
            pltpu.SemaphoreType.DMA,
        ],
        compiler_params=pltpu.CompilerParams(use_tc_tiling_on_sc=False),
    )
    return k(tab3, indices), kc(coords_p, indices)


_PERM_CACHE = []


def _perm():
    if not _PERM_CACHE:
        _PERM_CACHE.append(
            jax.random.permutation(jax.random.key(1), N_ROWS))
    return _PERM_CACHE[0]


def kernel(num_samples, slices, coords):
    n = slices.shape[0]
    indices = lax.dynamic_slice_in_dim(
        _perm(), num_samples - B, B).astype(jnp.int32)
    tab3 = jnp.transpose(slices, (2, 3, 1, 0)).reshape(HW, F, n)
    coords_p = jnp.pad(coords, ((0, 0), (0, CDP - CD)))
    out3, labels_p = _run(tab3, indices, coords_p)
    samples = jnp.transpose(
        out3.reshape(11, 11, F, B), (3, 2, 0, 1))
    return (samples, labels_p[:, :CD])

# --- scband reference (transcript-rebuilt; emitter-appended) ---
"""Pipeline reference for scband-atfslice-sampler-27513560498318 (READ-ONLY COPY).

The authoritative reference and input builder live on the scoring server;
editing this copy changes nothing except your own understanding.
"""

import jax, jax.numpy as jnp
import numpy as np

N_SLICES = 10000
FREQ = 64
H = 11
W = 11
NUM_SAMPLES = 4096

def setup_inputs(seed: int = 0) -> dict:
    key = jax.random.key(seed)
    k1, k2 = jax.random.split(key)
    # Materialize the stored dataset buffers that __init__ would have loaded from disk.
    slices = jax.random.normal(k1, (N_SLICES, FREQ, H, W), dtype=jnp.float32)
    coords = jax.random.normal(k2, (N_SLICES, 4), dtype=jnp.float32)
    return {"num_samples": 4096, "slices": slices, "coords": coords}

def reference(num_samples, slices, coords):
    # Faithful translation of ATFSliceSampler.sample:
    # num_samples (4096) <= len(slices) (10000), so torch uses randperm[:num_samples].
    key = jax.random.key(1)
    n = slices.shape[0]
    perm = jax.random.permutation(key, n)
    indices = jax.lax.dynamic_slice_in_dim(perm, num_samples - NUM_SAMPLES, NUM_SAMPLES)
    samples = jnp.take(slices, indices, axis=0)
    labels = jnp.take(coords, indices, axis=0)
    # transform is None; device move is a no-op in jax
    return (samples, labels)

if __name__ == "__main__":
    import jax
    _d = setup_inputs()
    print(jax.jit(kernel)(*tuple(_d.values())))

</pallas_src>

<mosaic_0001>
#map = affine_map<(d0, d1) -> (0, 0, 0)>
#map1 = affine_map<(d0, d1) -> (0)>
module attributes {stable_mosaic.version = 14 : i64} {
  func.func @_sc_gather(%arg0: i32, %arg1: i32, %arg2: memref<121x64x10000xf32, #tpu.memory_space<hbm>>, %arg3: memref<4096xi32, #tpu.memory_space<hbm>>, %arg4: memref<121x64x4096xf32, #tpu.memory_space<hbm>>, %arg5: memref<4096xi32, #tpu.memory_space<vmem>>, %arg6: memref<4x10000xf32, #tpu.memory_space<vmem>>, %arg7: memref<4x10000xf32, #tpu.memory_space<vmem>>, %arg8: memref<4x4096xf32, #tpu.memory_space<vmem>>, %arg9: memref<4x4096xf32, #tpu.memory_space<vmem>>, %arg10: memref<!tpu.dma_semaphore, #tpu.memory_space<semaphore_mem>>, %arg11: memref<!tpu.dma_semaphore, #tpu.memory_space<semaphore_mem>>, %arg12: memref<!tpu.dma_semaphore, #tpu.memory_space<semaphore_mem>>, %arg13: memref<!tpu.dma_semaphore, #tpu.memory_space<semaphore_mem>>) attributes {dimension_semantics = [#tpu.dimension_semantics<core_parallel>, #tpu.dimension_semantics<subcore_parallel>], iteration_bounds = array<i64: 2, 16>, scalar_prefetch = 0 : i64, scratch_operands = 9 : i64, tpu.core_type = #tpu.core_type<sc_vector_subcore>, window_params = [{transform_indices = #map}, {transform_indices = #map1}, {transform_indices = #map}]} {
    %mul3A = arith.constant 2 : i32
    %mul3A_0 = arith.muli %arg1, %mul3A : i32
    %add3A = arith.addi %mul3A_0, %arg0 : i32
    "tpu.region"() ({
      %run_scoped3A = tpu.sem_alloc : memref<!tpu.dma_semaphore, #tpu.memory_space<semaphore_mem>>
      tpu.enqueue_dma source(%arg3 : memref<4096xi32, #tpu.memory_space<hbm>>) target(%arg5 : memref<4096xi32, #tpu.memory_space<vmem>>) target_semaphore(%run_scoped3A : memref<!tpu.dma_semaphore, #tpu.memory_space<semaphore_mem>>)
      tpu.wait_dma2 semaphore(%run_scoped3A : memref<!tpu.dma_semaphore, #tpu.memory_space<semaphore_mem>>) src(%arg3 : memref<4096xi32, #tpu.memory_space<hbm>>) dst(%arg5 : memref<4096xi32, #tpu.memory_space<vmem>>)
      tpu.yield
    }) : () -> ()
    %add3A_1 = arith.constant 0 : i32
    %add3A_2 = arith.addi %add3A, %add3A_1 : i32
    %jit3A = arith.constant 16 : i32
    %div3A = arith.divsi %add3A_2, %jit3A : i32
    %sign3A = arith.constant 0 : i32
    %sign3A_3 = arith.cmpi sgt, %add3A_2, %sign3A : i32
    %sign3A_4 = arith.extui %sign3A_3 : i1 to i32
    %sign3A_5 = arith.constant 0 : i32
    %sign3A_6 = arith.cmpi slt, %add3A_2, %sign3A_5 : i32
    %sign3A_7 = arith.extui %sign3A_6 : i1 to i32
    %sign3A_8 = arith.subi %sign3A_4, %sign3A_7 : i32
    %sign3A_9 = arith.constant 0 : i32
    %sign3A_10 = arith.cmpi sgt, %jit3A, %sign3A_9 : i32
    %sign3A_11 = arith.extui %sign3A_10 : i1 to i32
    %sign3A_12 = arith.constant 0 : i32
    %sign3A_13 = arith.cmpi slt, %jit3A, %sign3A_12 : i32
    %sign3A_14 = arith.extui %sign3A_13 : i1 to i32
    %sign3A_15 = arith.subi %sign3A_11, %sign3A_14 : i32
    %ne3A = arith.cmpi ne, %sign3A_8, %sign3A_15 : i32
    %rem3A = arith.remsi %add3A_2, %jit3A : i32
    %ne3A_16 = arith.constant 0 : i32
    %ne3A_17 = arith.cmpi ne, %rem3A, %ne3A_16 : i32
    %and3A = arith.andi %ne3A, %ne3A_17 : i1
    %sub3A = arith.constant 1 : i32
    %sub3A_18 = arith.subi %div3A, %sub3A : i32
    %select_n3A = arith.select %and3A, %sub3A_18, %div3A : i32
    %jit3A_19 = arith.constant 16 : i32
    %eq3A = arith.constant 0 : i32
    %eq3A_20 = arith.cmpi eq, %jit3A_19, %eq3A : i32
    %jit3A_21 = arith.constant 1 : i32
    %select_n3A_22 = arith.select %eq3A_20, %jit3A_21, %jit3A_19 : i32
    %rem3A_23 = arith.remsi %add3A_2, %select_n3A_22 : i32
    %ne3A_24 = arith.constant 0 : i32
    %ne3A_25 = arith.cmpi ne, %rem3A_23, %ne3A_24 : i32
    %lt3A = arith.constant 0 : i32
    %lt3A_26 = arith.cmpi slt, %rem3A_23, %lt3A : i32
    %lt3A_27 = arith.constant 0 : i32
    %lt3A_28 = arith.cmpi slt, %select_n3A_22, %lt3A_27 : i32
    %ne3A_29 = arith.xori %lt3A_26, %lt3A_28 : i1
    %and3A_30 = arith.andi %ne3A_29, %ne3A_25 : i1
    %add3A_31 = arith.addi %rem3A_23, %select_n3A_22 : i32
    %select_n3A_32 = arith.select %and3A_30, %add3A_31, %rem3A_23 : i32
    %mul3A_33 = arith.constant 4 : i32
    %mul3A_34 = arith.muli %select_n3A_32, %mul3A_33 : i32
    %dma_start3A = arith.constant 0 : i32
    %dma_start3A_35 = tpu.memref_slice %arg2[%select_n3A, %mul3A_34, %dma_start3A] : memref<121x64x10000xf32, #tpu.memory_space<hbm>> -> memref<1x4x10000xf32, #tpu.memory_space<hbm>>
    %dma_start3A_36 = tpu.memref_squeeze %dma_start3A_35 : memref<1x4x10000xf32, #tpu.memory_space<hbm>> -> memref<4x10000xf32, #tpu.memory_space<hbm>>
    %dma_start3A_37 = arith.constant 0 : i32
    %dma_start3A_38 = tpu.memref_slice %arg2[%select_n3A, %mul3A_34, %dma_start3A_37] : memref<121x64x10000xf32, #tpu.memory_space<hbm>> -> memref<1x4x10000xf32, #tpu.memory_space<hbm>>
    %dma_start3A_39 = tpu.memref_squeeze %dma_start3A_38 : memref<1x4x10000xf32, #tpu.memory_space<hbm>> -> memref<4x10000xf32, #tpu.memory_space<hbm>>
    tpu.enqueue_dma source(%dma_start3A_39 : memref<4x10000xf32, #tpu.memory_space<hbm>>) target(%arg6 : memref<4x10000xf32, #tpu.memory_space<vmem>>) target_semaphore(%arg10 : memref<!tpu.dma_semaphore, #tpu.memory_space<semaphore_mem>>)
    %add3A_40 = arith.constant 32 : i32
    %add3A_41 = arith.addi %add3A, %add3A_40 : i32
    %jit3A_42 = arith.constant 16 : i32
    %div3A_43 = arith.divsi %add3A_41, %jit3A_42 : i32
    %sign3A_44 = arith.constant 0 : i32
    %sign3A_45 = arith.cmpi sgt, %add3A_41, %sign3A_44 : i32
    %sign3A_46 = arith.extui %sign3A_45 : i1 to i32
    %sign3A_47 = arith.constant 0 : i32
    %sign3A_48 = arith.cmpi slt, %add3A_41, %sign3A_47 : i32
    %sign3A_49 = arith.extui %sign3A_48 : i1 to i32
    %sign3A_50 = arith.subi %sign3A_46, %sign3A_49 : i32
    %sign3A_51 = arith.constant 0 : i32
    %sign3A_52 = arith.cmpi sgt, %jit3A_42, %sign3A_51 : i32
    %sign3A_53 = arith.extui %sign3A_52 : i1 to i32
    %sign3A_54 = arith.constant 0 : i32
    %sign3A_55 = arith.cmpi slt, %jit3A_42, %sign3A_54 : i32
    %sign3A_56 = arith.extui %sign3A_55 : i1 to i32
    %sign3A_57 = arith.subi %sign3A_53, %sign3A_56 : i32
    %ne3A_58 = arith.cmpi ne, %sign3A_50, %sign3A_57 : i32
    %rem3A_59 = arith.remsi %add3A_41, %jit3A_42 : i32
    %ne3A_60 = arith.constant 0 : i32
    %ne3A_61 = arith.cmpi ne, %rem3A_59, %ne3A_60 : i32
    %and3A_62 = arith.andi %ne3A_58, %ne3A_61 : i1
    %sub3A_63 = arith.constant 1 : i32
    %sub3A_64 = arith.subi %div3A_43, %sub3A_63 : i32
    %select_n3A_65 = arith.select %and3A_62, %sub3A_64, %div3A_43 : i32
    %jit3A_66 = arith.constant 16 : i32
    %eq3A_67 = arith.constant 0 : i32
    %eq3A_68 = arith.cmpi eq, %jit3A_66, %eq3A_67 : i32
    %jit3A_69 = arith.constant 1 : i32
    %select_n3A_70 = arith.select %eq3A_68, %jit3A_69, %jit3A_66 : i32
    %rem3A_71 = arith.remsi %add3A_41, %select_n3A_70 : i32
    %ne3A_72 = arith.constant 0 : i32
    %ne3A_73 = arith.cmpi ne, %rem3A_71, %ne3A_72 : i32
    %lt3A_74 = arith.constant 0 : i32
    %lt3A_75 = arith.cmpi slt, %rem3A_71, %lt3A_74 : i32
    %lt3A_76 = arith.constant 0 : i32
    %lt3A_77 = arith.cmpi slt, %select_n3A_70, %lt3A_76 : i32
    %ne3A_78 = arith.xori %lt3A_75, %lt3A_77 : i1
    %and3A_79 = arith.andi %ne3A_78, %ne3A_73 : i1
    %add3A_80 = arith.addi %rem3A_71, %select_n3A_70 : i32
    %select_n3A_81 = arith.select %and3A_79, %add3A_80, %rem3A_71 : i32
    %mul3A_82 = arith.constant 4 : i32
    %mul3A_83 = arith.muli %select_n3A_81, %mul3A_82 : i32
    %dma_start3A_84 = arith.constant 0 : i32
    %dma_start3A_85 = tpu.memref_slice %arg2[%select_n3A_65, %mul3A_83, %dma_start3A_84] : memref<121x64x10000xf32, #tpu.memory_space<hbm>> -> memref<1x4x10000xf32, #tpu.memory_space<hbm>>
    %dma_start3A_86 = tpu.memref_squeeze %dma_start3A_85 : memref<1x4x10000xf32, #tpu.memory_space<hbm>> -> memref<4x10000xf32, #tpu.memory_space<hbm>>
    %dma_start3A_87 = arith.constant 0 : i32
    %dma_start3A_88 = tpu.memref_slice %arg2[%select_n3A_65, %mul3A_83, %dma_start3A_87] : memref<121x64x10000xf32, #tpu.memory_space<hbm>> -> memref<1x4x10000xf32, #tpu.memory_space<hbm>>
    %dma_start3A_89 = tpu.memref_squeeze %dma_start3A_88 : memref<1x4x10000xf32, #tpu.memory_space<hbm>> -> memref<4x10000xf32, #tpu.memory_space<hbm>>
    tpu.enqueue_dma source(%dma_start3A_89 : memref<4x10000xf32, #tpu.memory_space<hbm>>) target(%arg7 : memref<4x10000xf32, #tpu.memory_space<vmem>>) target_semaphore(%arg11 : memref<!tpu.dma_semaphore, #tpu.memory_space<semaphore_mem>>)
    %scan3A = arith.constant 0 : i32
    %scan3A_90 = arith.constant 0 : i32
    %scan3A_91 = arith.constant 31 : i32
    %scan3A_92 = arith.addi %scan3A_90, %scan3A_91 : i32
    %scan3A_93 = arith.constant 1 : i32
    scf.for %scan3A_112 = %scan3A_90 to %scan3A_92 step %scan3A_93  : i32 {
      %mul3A_113 = arith.constant 2 : i32
      %mul3A_114 = arith.muli %mul3A_113, %scan3A_112 : i32
      %add3A_115 = arith.constant 0 : i32
      %add3A_116 = arith.addi %mul3A_114, %add3A_115 : i32
      %mul3A_117 = arith.constant 32 : i32
      %mul3A_118 = arith.muli %add3A_116, %mul3A_117 : i32
      %add3A_119 = arith.addi %add3A, %mul3A_118 : i32
      %jit3A_120 = arith.constant 16 : i32
      %div3A_121 = arith.divsi %add3A_119, %jit3A_120 : i32
      %sign3A_122 = arith.constant 0 : i32
      %sign3A_123 = arith.cmpi sgt, %add3A_119, %sign3A_122 : i32
      %sign3A_124 = arith.extui %sign3A_123 : i1 to i32
      %sign3A_125 = arith.constant 0 : i32
      %sign3A_126 = arith.cmpi slt, %add3A_119, %sign3A_125 : i32
      %sign3A_127 = arith.extui %sign3A_126 : i1 to i32
      %sign3A_128 = arith.subi %sign3A_124, %sign3A_127 : i32
      %sign3A_129 = arith.constant 0 : i32
      %sign3A_130 = arith.cmpi sgt, %jit3A_120, %sign3A_129 : i32
      %sign3A_131 = arith.extui %sign3A_130 : i1 to i32
      %sign3A_132 = arith.constant 0 : i32
      %sign3A_133 = arith.cmpi slt, %jit3A_120, %sign3A_132 : i32
      %sign3A_134 = arith.extui %sign3A_133 : i1 to i32
      %sign3A_135 = arith.subi %sign3A_131, %sign3A_134 : i32
      %ne3A_136 = arith.cmpi ne, %sign3A_128, %sign3A_135 : i32
      %rem3A_137 = arith.remsi %add3A_119, %jit3A_120 : i32
      %ne3A_138 = arith.constant 0 : i32
      %ne3A_139 = arith.cmpi ne, %rem3A_137, %ne3A_138 : i32
      %and3A_140 = arith.andi %ne3A_136, %ne3A_139 : i1
      %sub3A_141 = arith.constant 1 : i32
      %sub3A_142 = arith.subi %div3A_121, %sub3A_141 : i32
      %select_n3A_143 = arith.select %and3A_140, %sub3A_142, %div3A_121 : i32
      %jit3A_144 = arith.constant 16 : i32
      %eq3A_145 = arith.constant 0 : i32
      %eq3A_146 = arith.cmpi eq, %jit3A_144, %eq3A_145 : i32
      %jit3A_147 = arith.constant 1 : i32
      %select_n3A_148 = arith.select %eq3A_146, %jit3A_147, %jit3A_144 : i32
      %rem3A_149 = arith.remsi %add3A_119, %select_n3A_148 : i32
      %ne3A_150 = arith.constant 0 : i32
      %ne3A_151 = arith.cmpi ne, %rem3A_149, %ne3A_150 : i32
      %lt3A_152 = arith.constant 0 : i32
      %lt3A_153 = arith.cmpi slt, %rem3A_149, %lt3A_152 : i32
      %lt3A_154 = arith.constant 0 : i32
      %lt3A_155 = arith.cmpi slt, %select_n3A_148, %lt3A_154 : i32
      %ne3A_156 = arith.xori %lt3A_153, %lt3A_155 : i1
      %and3A_157 = arith.andi %ne3A_156, %ne3A_151 : i1
      %add3A_158 = arith.addi %rem3A_149, %select_n3A_148 : i32
      %select_n3A_159 = arith.select %and3A_157, %add3A_158, %rem3A_149 : i32
      %mul3A_160 = arith.constant 4 : i32
      %mul3A_161 = arith.muli %select_n3A_159, %mul3A_160 : i32
      %lt3A_162 = arith.constant 1936 : i32
      %lt3A_163 = arith.cmpi slt, %add3A_119, %lt3A_162 : i32
      %convert_element_type3A = arith.extui %lt3A_163 : i1 to i32
      %cond3A = arith.constant 0 : i32
      %cond3A_164 = arith.cmpi ne, %convert_element_type3A, %cond3A : i32
      scf.if %cond3A_164 {
        %dma_wait3A_219 = arith.constant 0 : i32
        %dma_wait3A_220 = tpu.memref_slice %arg2[%select_n3A_143, %mul3A_161, %dma_wait3A_219] : memref<121x64x10000xf32, #tpu.memory_space<hbm>> -> memref<1x4x10000xf32, #tpu.memory_space<hbm>>
        %dma_wait3A_221 = tpu.memref_squeeze %dma_wait3A_220 : memref<1x4x10000xf32, #tpu.memory_space<hbm>> -> memref<4x10000xf32, #tpu.memory_space<hbm>>
        %dma_wait3A_222 = arith.constant 0 : i32
        %dma_wait3A_223 = tpu.memref_slice %arg2[%select_n3A_143, %mul3A_161, %dma_wait3A_222] : memref<121x64x10000xf32, #tpu.memory_space<hbm>> -> memref<1x4x10000xf32, #tpu.memory_space<hbm>>
        %dma_wait3A_224 = tpu.memref_squeeze %dma_wait3A_223 : memref<1x4x10000xf32, #tpu.memory_space<hbm>> -> memref<4x10000xf32, #tpu.memory_space<hbm>>
        tpu.wait_dma2 semaphore(%arg10 : memref<!tpu.dma_semaphore, #tpu.memory_space<semaphore_mem>>) src(%dma_wait3A_224 : memref<4x10000xf32, #tpu.memory_space<hbm>>) dst(%arg6 : memref<4x10000xf32, #tpu.memory_space<vmem>>)
        %gt3A = arith.constant 0 : i32
        %gt3A_225 = arith.cmpi sgt, %scan3A_112, %gt3A : i32
        %convert_element_type3A_226 = arith.extui %gt3A_225 : i1 to i32
        %cond3A_227 = arith.constant 0 : i32
        %cond3A_228 = arith.cmpi ne, %convert_element_type3A_226, %cond3A_227 : i32
        scf.if %cond3A_228 {
          %dma_wait3A_293 = arith.constant 0 : i32
          %dma_wait3A_294 = tpu.memref_slice %arg4[%select_n3A_143, %mul3A_161, %dma_wait3A_293] : memref<121x64x4096xf32, #tpu.memory_space<hbm>> -> memref<1x4x4096xf32, #tpu.memory_space<hbm>>
          %dma_wait3A_295 = tpu.memref_squeeze %dma_wait3A_294 : memref<1x4x4096xf32, #tpu.memory_space<hbm>> -> memref<4x4096xf32, #tpu.memory_space<hbm>>
          %dma_wait3A_296 = arith.constant 0 : i32
          %dma_wait3A_297 = tpu.memref_slice %arg4[%select_n3A_143, %mul3A_161, %dma_wait3A_296] : memref<121x64x4096xf32, #tpu.memory_space<hbm>> -> memref<1x4x4096xf32, #tpu.memory_space<hbm>>
          %dma_wait3A_298 = tpu.memref_squeeze %dma_wait3A_297 : memref<1x4x4096xf32, #tpu.memory_space<hbm>> -> memref<4x4096xf32, #tpu.memory_space<hbm>>
          tpu.wait_dma2 semaphore(%arg12 : memref<!tpu.dma_semaphore, #tpu.memory_space<semaphore_mem>>) src(%arg8 : memref<4x4096xf32, #tpu.memory_space<vmem>>) dst(%dma_wait3A_298 : memref<4x4096xf32, #tpu.memory_space<hbm>>)
        } else {
        }
        %scan3A_229 = arith.constant 0 : i32
        %scan3A_230 = arith.constant 0 : i32
        %scan3A_231 = arith.constant 64 : i32
        %scan3A_232 = arith.addi %scan3A_230, %scan3A_231 : i32
        %scan3A_233 = arith.constant 1 : i32
        scf.for %scan3A_293 = %scan3A_230 to %scan3A_232 step %scan3A_233  : i32 {
          %mul3A_294 = arith.constant 4 : i32
          %mul3A_295 = arith.muli %scan3A_293, %mul3A_294 : i32
          %add3A_296 = arith.constant 0 : i32
          %add3A_297 = arith.addi %mul3A_295, %add3A_296 : i32
          %mul3A_298 = arith.constant 16 : i32
          %mul3A_299 = arith.muli %add3A_297, %mul3A_298 : i32
          %get3A = arith.index_cast %mul3A_299 : i32 to index
          %get3A_300 = tpu.vector_load %arg5[%get3A] {strides = array<i32>} : memref<4096xi32, #tpu.memory_space<vmem>>, vector<16xi32>,
          %broadcast_in_dim3A = arith.constant 0 : i32
          %broadcast_in_dim3A_301 = vector.broadcast %broadcast_in_dim3A : i32 to vector<16xi32>
          %gather3A = tpu.vector_load_idx %arg6[%broadcast_in_dim3A_301, %get3A_300] : memref<4x10000xf32, #tpu.memory_space<vmem>>[vector<16xi32>, vector<16xi32>], vector<16xf32>,
          %broadcast_in_dim3A_302 = arith.constant 1 : i32
          %broadcast_in_dim3A_303 = vector.broadcast %broadcast_in_dim3A_302 : i32 to vector<16xi32>
          %gather3A_304 = tpu.vector_load_idx %arg6[%broadcast_in_dim3A_303, %get3A_300] : memref<4x10000xf32, #tpu.memory_space<vmem>>[vector<16xi32>, vector<16xi32>], vector<16xf32>,
          %broadcast_in_dim3A_305 = arith.constant 2 : i32
          %broadcast_in_dim3A_306 = vector.broadcast %broadcast_in_dim3A_305 : i32 to vector<16xi32>
          %gather3A_307 = tpu.vector_load_idx %arg6[%broadcast_in_dim3A_306, %get3A_300] : memref<4x10000xf32, #tpu.memory_space<vmem>>[vector<16xi32>, vector<16xi32>], vector<16xf32>,
          %broadcast_in_dim3A_308 = arith.constant 3 : i32
          %broadcast_in_dim3A_309 = vector.broadcast %broadcast_in_dim3A_308 : i32 to vector<16xi32>
          %gather3A_310 = tpu.vector_load_idx %arg6[%broadcast_in_dim3A_309, %get3A_300] : memref<4x10000xf32, #tpu.memory_space<vmem>>[vector<16xi32>, vector<16xi32>], vector<16xf32>,
          %mul3A_311 = arith.constant 4 : i32
          %mul3A_312 = arith.muli %scan3A_293, %mul3A_311 : i32
          %add3A_313 = arith.constant 1 : i32
          %add3A_314 = arith.addi %mul3A_312, %add3A_313 : i32
          %mul3A_315 = arith.constant 16 : i32
          %mul3A_316 = arith.muli %add3A_314, %mul3A_315 : i32
          %get3A_317 = arith.index_cast %mul3A_316 : i32 to index
          %get3A_318 = tpu.vector_load %arg5[%get3A_317] {strides = array<i32>} : memref<4096xi32, #tpu.memory_space<vmem>>, vector<16xi32>,
          %broadcast_in_dim3A_319 = arith.constant 0 : i32
          %broadcast_in_dim3A_320 = vector.broadcast %broadcast_in_dim3A_319 : i32 to vector<16xi32>
          %gather3A_321 = tpu.vector_load_idx %arg6[%broadcast_in_dim3A_320, %get3A_318] : memref<4x10000xf32, #tpu.memory_space<vmem>>[vector<16xi32>, vector<16xi32>], vector<16xf32>,
          %broadcast_in_dim3A_322 = arith.constant 1 : i32
          %broadcast_in_dim3A_323 = vector.broadcast %broadcast_in_dim3A_322 : i32 to vector<16xi32>
          %gather3A_324 = tpu.vector_load_idx %arg6[%broadcast_in_dim3A_323, %get3A_318] : memref<4x10000xf32, #tpu.memory_space<vmem>>[vector<16xi32>, vector<16xi32>], vector<16xf32>,
          %broadcast_in_dim3A_325 = arith.constant 2 : i32
          %broadcast_in_dim3A_326 = vector.broadcast %broadcast_in_dim3A_325 : i32 to vector<16xi32>
          %gather3A_327 = tpu.vector_load_idx %arg6[%broadcast_in_dim3A_326, %get3A_318] : memref<4x10000xf32, #tpu.memory_space<vmem>>[vector<16xi32>, vector<16xi32>], vector<16xf32>,
          %broadcast_in_dim3A_328 = arith.constant 3 : i32
          %broadcast_in_dim3A_329 = vector.broadcast %broadcast_in_dim3A_328 : i32 to vector<16xi32>
          %gather3A_330 = tpu.vector_load_idx %arg6[%broadcast_in_dim3A_329, %get3A_318] : memref<4x10000xf32, #tpu.memory_space<vmem>>[vector<16xi32>, vector<16xi32>], vector<16xf32>,
          %mul3A_331 = arith.constant 4 : i32
          %mul3A_332 = arith.muli %scan3A_293, %mul3A_331 : i32
          %add3A_333 = arith.constant 2 : i32
          %add3A_334 = arith.addi %mul3A_332, %add3A_333 : i32
          %mul3A_335 = arith.constant 16 : i32
          %mul3A_336 = arith.muli %add3A_334, %mul3A_335 : i32
          %get3A_337 = arith.index_cast %mul3A_336 : i32 to index
          %get3A_338 = tpu.vector_load %arg5[%get3A_337] {strides = array<i32>} : memref<4096xi32, #tpu.memory_space<vmem>>, vector<16xi32>,
          %broadcast_in_dim3A_339 = arith.constant 0 : i32
          %broadcast_in_dim3A_340 = vector.broadcast %broadcast_in_dim3A_339 : i32 to vector<16xi32>
          %gather3A_341 = tpu.vector_load_idx %arg6[%broadcast_in_dim3A_340, %get3A_338] : memref<4x10000xf32, #tpu.memory_space<vmem>>[vector<16xi32>, vector<16xi32>], vector<16xf32>,
          %broadcast_in_dim3A_342 = arith.constant 1 : i32
          %broadcast_in_dim3A_343 = vector.broadcast %broadcast_in_dim3A_342 : i32 to vector<16xi32>
          %gather3A_344 = tpu.vector_load_idx %arg6[%broadcast_in_dim3A_343, %get3A_338] : memref<4x10000xf32, #tpu.memory_space<vmem>>[vector<16xi32>, vector<16xi32>], vector<16xf32>,
          %broadcast_in_dim3A_345 = arith.constant 2 : i32
          %broadcast_in_dim3A_346 = vector.broadcast %broadcast_in_dim3A_345 : i32 to vector<16xi32>
          %gather3A_347 = tpu.vector_load_idx %arg6[%broadcast_in_dim3A_346, %get3A_338] : memref<4x10000xf32, #tpu.memory_space<vmem>>[vector<16xi32>, vector<16xi32>], vector<16xf32>,
          %broadcast_in_dim3A_348 = arith.constant 3 : i32
          %broadcast_in_dim3A_349 = vector.broadcast %broadcast_in_dim3A_348 : i32 to vector<16xi32>
          %gather3A_350 = tpu.vector_load_idx %arg6[%broadcast_in_dim3A_349, %get3A_338] : memref<4x10000xf32, #tpu.memory_space<vmem>>[vector<16xi32>, vector<16xi32>], vector<16xf32>,
          %mul3A_351 = arith.constant 4 : i32
          %mul3A_352 = arith.muli %scan3A_293, %mul3A_351 : i32
          %add3A_353 = arith.constant 3 : i32
          %add3A_354 = arith.addi %mul3A_352, %add3A_353 : i32
          %mul3A_355 = arith.constant 16 : i32
          %mul3A_356 = arith.muli %add3A_354, %mul3A_355 : i32
          %get3A_357 = arith.index_cast %mul3A_356 : i32 to index
          %get3A_358 = tpu.vector_load %arg5[%get3A_357] {strides = array<i32>} : memref<4096xi32, #tpu.memory_space<vmem>>, vector<16xi32>,
          %broadcast_in_dim3A_359 = arith.constant 0 : i32
          %broadcast_in_dim3A_360 = vector.broadcast %broadcast_in_dim3A_359 : i32 to vector<16xi32>
          %gather3A_361 = tpu.vector_load_idx %arg6[%broadcast_in_dim3A_360, %get3A_358] : memref<4x10000xf32, #tpu.memory_space<vmem>>[vector<16xi32>, vector<16xi32>], vector<16xf32>,
          %broadcast_in_dim3A_362 = arith.constant 1 : i32
          %broadcast_in_dim3A_363 = vector.broadcast %broadcast_in_dim3A_362 : i32 to vector<16xi32>
          %gather3A_364 = tpu.vector_load_idx %arg6[%broadcast_in_dim3A_363, %get3A_358] : memref<4x10000xf32, #tpu.memory_space<vmem>>[vector<16xi32>, vector<16xi32>], vector<16xf32>,
          %broadcast_in_dim3A_365 = arith.constant 2 : i32
          %broadcast_in_dim3A_366 = vector.broadcast %broadcast_in_dim3A_365 : i32 to vector<16xi32>
          %gather3A_367 = tpu.vector_load_idx %arg6[%broadcast_in_dim3A_366, %get3A_358] : memref<4x10000xf32, #tpu.memory_space<vmem>>[vector<16xi32>, vector<16xi32>], vector<16xf32>,
          %broadcast_in_dim3A_368 = arith.constant 3 : i32
          %broadcast_in_dim3A_369 = vector.broadcast %broadcast_in_dim3A_368 : i32 to vector<16xi32>
          %gather3A_370 = tpu.vector_load_idx %arg6[%broadcast_in_dim3A_369, %get3A_358] : memref<4x10000xf32, #tpu.memory_space<vmem>>[vector<16xi32>, vector<16xi32>], vector<16xf32>,
          %mul3A_371 = arith.constant 16 : i32
          %mul3A_372 = arith.muli %add3A_297, %mul3A_371 : i32
          %swap3A = arith.constant 0 : i32
          %swap3A_373 = arith.index_cast %swap3A : i32 to index
          %swap3A_374 = arith.index_cast %mul3A_372 : i32 to index
          %swap3A_375 = tpu.vector_load %arg8[%swap3A_373, %swap3A_374] {strides = array<i32>} : memref<4x4096xf32, #tpu.memory_space<vmem>>, vector<16xf32>,
          tpu.vector_store %arg8[%swap3A_373, %swap3A_374], %gather3A {strides = array<i32>} : memref<4x4096xf32, #tpu.memory_space<vmem>>, vector<16xf32>,
          %mul3A_376 = arith.constant 16 : i32
          %mul3A_377 = arith.muli %add3A_297, %mul3A_376 : i32
          %swap3A_378 = arith.constant 1 : i32
          %swap3A_379 = arith.index_cast %swap3A_378 : i32 to index
          %swap3A_380 = arith.index_cast %mul3A_377 : i32 to index
          %swap3A_381 = tpu.vector_load %arg8[%swap3A_379, %swap3A_380] {strides = array<i32>} : memref<4x4096xf32, #tpu.memory_space<vmem>>, vector<16xf32>,
          tpu.vector_store %arg8[%swap3A_379, %swap3A_380], %gather3A_304 {strides = array<i32>} : memref<4x4096xf32, #tpu.memory_space<vmem>>, vector<16xf32>,
          %mul3A_382 = arith.constant 16 : i32
          %mul3A_383 = arith.muli %add3A_297, %mul3A_382 : i32
          %swap3A_384 = arith.constant 2 : i32
          %swap3A_385 = arith.index_cast %swap3A_384 : i32 to index
          %swap3A_386 = arith.index_cast %mul3A_383 : i32 to index
          %swap3A_387 = tpu.vector_load %arg8[%swap3A_385, %swap3A_386] {strides = array<i32>} : memref<4x4096xf32, #tpu.memory_space<vmem>>, vector<16xf32>,
          tpu.vector_store %arg8[%swap3A_385, %swap3A_386], %gather3A_307 {strides = array<i32>} : memref<4x4096xf32, #tpu.memory_space<vmem>>, vector<16xf32>,
          %mul3A_388 = arith.constant 16 : i32
          %mul3A_389 = arith.muli %add3A_297, %mul3A_388 : i32
          %swap3A_390 = arith.constant 3 : i32
          %swap3A_391 = arith.index_cast %swap3A_390 : i32 to index
          %swap3A_392 = arith.index_cast %mul3A_389 : i32 to index
          %swap3A_393 = tpu.vector_load %arg8[%swap3A_391, %swap3A_392] {strides = array<i32>} : memref<4x4096xf32, #tpu.memory_space<vmem>>, vector<16xf32>,
          tpu.vector_store %arg8[%swap3A_391, %swap3A_392], %gather3A_310 {strides = array<i32>} : memref<4x4096xf32, #tpu.memory_space<vmem>>, vector<16xf32>,
          %mul3A_394 = arith.constant 16 : i32
          %mul3A_395 = arith.muli %add3A_314, %mul3A_394 : i32
          %swap3A_396 = arith.constant 0 : i32
          %swap3A_397 = arith.index_cast %swap3A_396 : i32 to index
          %swap3A_398 = arith.index_cast %mul3A_395 : i32 to index
          %swap3A_399 = tpu.vector_load %arg8[%swap3A_397, %swap3A_398] {strides = array<i32>} : memref<4x4096xf32, #tpu.memory_space<vmem>>, vector<16xf32>,
          tpu.vector_store %arg8[%swap3A_397, %swap3A_398], %gather3A_321 {strides = array<i32>} : memref<4x4096xf32, #tpu.memory_space<vmem>>, vector<16xf32>,
          %mul3A_400 = arith.constant 16 : i32
          %mul3A_401 = arith.muli %add3A_314, %mul3A_400 : i32
          %swap3A_402 = arith.constant 1 : i32
          %swap3A_403 = arith.index_cast %swap3A_402 : i32 to index
          %swap3A_404 = arith.index_cast %mul3A_401 : i32 to index
          %swap3A_405 = tpu.vector_load %arg8[%swap3A_403, %swap3A_404] {strides = array<i32>} : memref<4x4096xf32, #tpu.memory_space<vmem>>, vector<16xf32>,
          tpu.vector_store %arg8[%swap3A_403, %swap3A_404], %gather3A_324 {strides = array<i32>} : memref<4x4096xf32, #tpu.memory_space<vmem>>, vector<16xf32>,
          %mul3A_406 = arith.constant 16 : i32
          %mul3A_407 = arith.muli %add3A_314, %mul3A_406 : i32
          %swap3A_408 = arith.constant 2 : i32
          %swap3A_409 = arith.index_cast %swap3A_408 : i32 to index
          %swap3A_410 = arith.index_cast %mul3A_407 : i32 to index
          %swap3A_411 = tpu.vector_load %arg8[%swap3A_409, %swap3A_410] {strides = array<i32>} : memref<4x4096xf32, #tpu.memory_space<vmem>>, vector<16xf32>,
          tpu.vector_store %arg8[%swap3A_409, %swap3A_410], %gather3A_327 {strides = array<i32>} : memref<4x4096xf32, #tpu.memory_space<vmem>>, vector<16xf32>,
          %mul3A_412 = arith.constant 16 : i32
          %mul3A_413 = arith.muli %add3A_314, %mul3A_412 : i32
          %swap3A_414 = arith.constant 3 : i32
          %swap3A_415 = arith.index_cast %swap3A_414 : i32 to index
          %swap3A_416 = arith.index_cast %mul3A_413 : i32 to index
          %swap3A_417 = tpu.vector_load %arg8[%swap3A_415, %swap3A_416] {strides = array<i32>} : memref<4x4096xf32, #tpu.memory_space<vmem>>, vector<16xf32>,
          tpu.vector_store %arg8[%swap3A_415, %swap3A_416], %gather3A_330 {strides = array<i32>} : memref<4x4096xf32, #tpu.memory_space<vmem>>, vector<16xf32>,
          %mul3A_418 = arith.constant 16 : i32
          %mul3A_419 = arith.muli %add3A_334, %mul3A_418 : i32
          %swap3A_420 = arith.constant 0 : i32
          %swap3A_421 = arith.index_cast %swap3A_420 : i32 to index
          %swap3A_422 = arith.index_cast %mul3A_419 : i32 to index
          %swap3A_423 = tpu.vector_load %arg8[%swap3A_421, %swap3A_422] {strides = array<i32>} : memref<4x4096xf32, #tpu.memory_space<vmem>>, vector<16xf32>,
          tpu.vector_store %arg8[%swap3A_421, %swap3A_422], %gather3A_341 {strides = array<i32>} : memref<4x4096xf32, #tpu.memory_space<vmem>>, vector<16xf32>,
          %mul3A_424 = arith.constant 16 : i32
          %mul3A_425 = arith.muli %add3A_334, %mul3A_424 : i32
          %swap3A_426 = arith.constant 1 : i32
          %swap3A_427 = arith.index_cast %swap3A_426 : i32 to index
          %swap3A_428 = arith.index_cast %mul3A_425 : i32 to index
          %swap3A_429 = tpu.vector_load %arg8[%swap3A_427, %swap3A_428] {strides = array<i32>} : memref<4x4096xf32, #tpu.memory_space<vmem>>, vector<16xf32>,
          tpu.vector_store %arg8[%swap3A_427, %swap3A_428], %gather3A_344 {strides = array<i32>} : memref<4x4096xf32, #tpu.memory_space<vmem>>, vector<16xf32>,
          %mul3A_430 = arith.constant 16 : i32
          %mul3A_431 = arith.muli %add3A_334, %mul3A_430 : i32
          %swap3A_432 = arith.constant 2 : i32
          %swap3A_433 = arith.index_cast %swap3A_432 : i32 to index
          %swap3A_434 = arith.index_cast %mul3A_431 : i32 to index
          %swap3A_435 = tpu.vector_load %arg8[%swap3A_433, %swap3A_434] {strides = array<i32>} : memref<4x4096xf32, #tpu.memory_space<vmem>>, vector<16xf32>,
          tpu.vector_store %arg8[%swap3A_433, %swap3A_434], %gather3A_347 {strides = array<i32>} : memref<4x4096xf32, #tpu.memory_space<vmem>>, vector<16xf32>,
          %mul3A_436 = arith.constant 16 : i32
          %mul3A_437 = arith.muli %add3A_334, %mul3A_436 : i32
          %swap3A_438 = arith.constant 3 : i32
          %swap3A_439 = arith.index_cast %swap3A_438 : i32 to index
          %swap3A_440 = arith.index_cast %mul3A_437 : i32 to index
          %swap3A_441 = tpu.vector_load %arg8[%swap3A_439, %swap3A_440] {strides = array<i32>} : memref<4x4096xf32, #tpu.memory_space<vmem>>, vector<16xf32>,
          tpu.vector_store %arg8[%swap3A_439, %swap3A_440], %gather3A_350 {strides = array<i32>} : memref<4x4096xf32, #tpu.memory_space<vmem>>, vector<16xf32>,
          %mul3A_442 = arith.constant 16 : i32
          %mul3A_443 = arith.muli %add3A_354, %mul3A_442 : i32
          %swap3A_444 = arith.constant 0 : i32
          %swap3A_445 = arith.index_cast %swap3A_444 : i32 to index
          %swap3A_446 = arith.index_cast %mul3A_443 : i32 to index
          %swap3A_447 = tpu.vector_load %arg8[%swap3A_445, %swap3A_446] {strides = array<i32>} : memref<4x4096xf32, #tpu.memory_space<vmem>>, vector<16xf32>,
          tpu.vector_store %arg8[%swap3A_445, %swap3A_446], %gather3A_361 {strides = array<i32>} : memref<4x4096xf32, #tpu.memory_space<vmem>>, vector<16xf32>,
          %mul3A_448 = arith.constant 16 : i32
          %mul3A_449 = arith.muli %add3A_354, %mul3A_448 : i32
          %swap3A_450 = arith.constant 1 : i32
          %swap3A_451 = arith.index_cast %swap3A_450 : i32 to index
          %swap3A_452 = arith.index_cast %mul3A_449 : i32 to index
          %swap3A_453 = tpu.vector_load %arg8[%swap3A_451, %swap3A_452] {strides = array<i32>} : memref<4x4096xf32, #tpu.memory_space<vmem>>, vector<16xf32>,
          tpu.vector_store %arg8[%swap3A_451, %swap3A_452], %gather3A_364 {strides = array<i32>} : memref<4x4096xf32, #tpu.memory_space<vmem>>, vector<16xf32>,
          %mul3A_454 = arith.constant 16 : i32
          %mul3A_455 = arith.muli %add3A_354, %mul3A_454 : i32
          %swap3A_456 = arith.constant 2 : i32
          %swap3A_457 = arith.index_cast %swap3A_456 : i32 to index
          %swap3A_458 = arith.index_cast %mul3A_455 : i32 to index
          %swap3A_459 = tpu.vector_load %arg8[%swap3A_457, %swap3A_458] {strides = array<i32>} : memref<4x4096xf32, #tpu.memory_space<vmem>>, vector<16xf32>,
          tpu.vector_store %arg8[%swap3A_457, %swap3A_458], %gather3A_367 {strides = array<i32>} : memref<4x4096xf32, #tpu.memory_space<vmem>>, vector<16xf32>,
          %mul3A_460 = arith.constant 16 : i32
          %mul3A_461 = arith.muli %add3A_354, %mul3A_460 : i32
          %swap3A_462 = arith.constant 3 : i32
          %swap3A_463 = arith.index_cast %swap3A_462 : i32 to index
          %swap3A_464 = arith.index_cast %mul3A_461 : i32 to index
          %swap3A_465 = tpu.vector_load %arg8[%swap3A_463, %swap3A_464] {strides = array<i32>} : memref<4x4096xf32, #tpu.memory_space<vmem>>, vector<16xf32>,
          tpu.vector_store %arg8[%swap3A_463, %swap3A_464], %gather3A_370 {strides = array<i32>} : memref<4x4096xf32, #tpu.memory_space<vmem>>, vector<16xf32>,
        }
        %scan3A_234 = arith.constant 64 : i32
        %dma_start3A_235 = arith.constant 0 : i32
        %dma_start3A_236 = tpu.memref_slice %arg4[%select_n3A_143, %mul3A_161, %dma_start3A_235] : memref<121x64x4096xf32, #tpu.memory_space<hbm>> -> memref<1x4x4096xf32, #tpu.memory_space<hbm>>
        %dma_start3A_237 = tpu.memref_squeeze %dma_start3A_236 : memref<1x4x4096xf32, #tpu.memory_space<hbm>> -> memref<4x4096xf32, #tpu.memory_space<hbm>>
        %dma_start3A_238 = arith.constant 0 : i32
        %dma_start3A_239 = tpu.memref_slice %arg4[%select_n3A_143, %mul3A_161, %dma_start3A_238] : memref<121x64x4096xf32, #tpu.memory_space<hbm>> -> memref<1x4x4096xf32, #tpu.memory_space<hbm>>
        %dma_start3A_240 = tpu.memref_squeeze %dma_start3A_239 : memref<1x4x4096xf32, #tpu.memory_space<hbm>> -> memref<4x4096xf32, #tpu.memory_space<hbm>>
        tpu.enqueue_dma source(%arg8 : memref<4x4096xf32, #tpu.memory_space<vmem>>) target(%dma_start3A_240 : memref<4x4096xf32, #tpu.memory_space<hbm>>) target_semaphore(%arg12 : memref<!tpu.dma_semaphore, #tpu.memory_space<semaphore_mem>>)
        %add3A_241 = arith.constant 2 : i32
        %add3A_242 = arith.addi %add3A_116, %add3A_241 : i32
        %mul3A_243 = arith.constant 32 : i32
        %mul3A_244 = arith.muli %add3A_242, %mul3A_243 : i32
        %add3A_245 = arith.addi %add3A, %mul3A_244 : i32
        %jit3A_246 = arith.constant 16 : i32
        %div3A_247 = arith.divsi %add3A_245, %jit3A_246 : i32
        %sign3A_248 = arith.constant 0 : i32
        %sign3A_249 = arith.cmpi sgt, %add3A_245, %sign3A_248 : i32
        %sign3A_250 = arith.extui %sign3A_249 : i1 to i32
        %sign3A_251 = arith.constant 0 : i32
        %sign3A_252 = arith.cmpi slt, %add3A_245, %sign3A_251 : i32
        %sign3A_253 = arith.extui %sign3A_252 : i1 to i32
        %sign3A_254 = arith.subi %sign3A_250, %sign3A_253 : i32
        %sign3A_255 = arith.constant 0 : i32
        %sign3A_256 = arith.cmpi sgt, %jit3A_246, %sign3A_255 : i32
        %sign3A_257 = arith.extui %sign3A_256 : i1 to i32
        %sign3A_258 = arith.constant 0 : i32
        %sign3A_259 = arith.cmpi slt, %jit3A_246, %sign3A_258 : i32
        %sign3A_260 = arith.extui %sign3A_259 : i1 to i32
        %sign3A_261 = arith.subi %sign3A_257, %sign3A_260 : i32
        %ne3A_262 = arith.cmpi ne, %sign3A_254, %sign3A_261 : i32
        %rem3A_263 = arith.remsi %add3A_245, %jit3A_246 : i32
        %ne3A_264 = arith.constant 0 : i32
        %ne3A_265 = arith.cmpi ne, %rem3A_263, %ne3A_264 : i32
        %and3A_266 = arith.andi %ne3A_262, %ne3A_265 : i1
        %sub3A_267 = arith.constant 1 : i32
        %sub3A_268 = arith.subi %div3A_247, %sub3A_267 : i32
        %select_n3A_269 = arith.select %and3A_266, %sub3A_268, %div3A_247 : i32
        %jit3A_270 = arith.constant 16 : i32
        %eq3A_271 = arith.constant 0 : i32
        %eq3A_272 = arith.cmpi eq, %jit3A_270, %eq3A_271 : i32
        %jit3A_273 = arith.constant 1 : i32
        %select_n3A_274 = arith.select %eq3A_272, %jit3A_273, %jit3A_270 : i32
        %rem3A_275 = arith.remsi %add3A_245, %select_n3A_274 : i32
        %ne3A_276 = arith.constant 0 : i32
        %ne3A_277 = arith.cmpi ne, %rem3A_275, %ne3A_276 : i32
        %lt3A_278 = arith.constant 0 : i32
        %lt3A_279 = arith.cmpi slt, %rem3A_275, %lt3A_278 : i32
        %lt3A_280 = arith.constant 0 : i32
        %lt3A_281 = arith.cmpi slt, %select_n3A_274, %lt3A_280 : i32
        %ne3A_282 = arith.xori %lt3A_279, %lt3A_281 : i1
        %and3A_283 = arith.andi %ne3A_282, %ne3A_277 : i1
        %add3A_284 = arith.addi %rem3A_275, %select_n3A_274 : i32
        %select_n3A_285 = arith.select %and3A_283, %add3A_284, %rem3A_275 : i32
        %mul3A_286 = arith.constant 4 : i32
        %mul3A_287 = arith.muli %select_n3A_285, %mul3A_286 : i32
        %lt3A_288 = arith.constant 1936 : i32
        %lt3A_289 = arith.cmpi slt, %add3A_245, %lt3A_288 : i32
        %convert_element_type3A_290 = arith.extui %lt3A_289 : i1 to i32
        %cond3A_291 = arith.constant 0 : i32
        %cond3A_292 = arith.cmpi ne, %convert_element_type3A_290, %cond3A_291 : i32
        scf.if %cond3A_292 {
          %dma_start3A_293 = arith.constant 0 : i32
          %dma_start3A_294 = tpu.memref_slice %arg2[%select_n3A_269, %mul3A_287, %dma_start3A_293] : memref<121x64x10000xf32, #tpu.memory_space<hbm>> -> memref<1x4x10000xf32, #tpu.memory_space<hbm>>
          %dma_start3A_295 = tpu.memref_squeeze %dma_start3A_294 : memref<1x4x10000xf32, #tpu.memory_space<hbm>> -> memref<4x10000xf32, #tpu.memory_space<hbm>>
          %dma_start3A_296 = arith.constant 0 : i32
          %dma_start3A_297 = tpu.memref_slice %arg2[%select_n3A_269, %mul3A_287, %dma_start3A_296] : memref<121x64x10000xf32, #tpu.memory_space<hbm>> -> memref<1x4x10000xf32, #tpu.memory_space<hbm>>
          %dma_start3A_298 = tpu.memref_squeeze %dma_start3A_297 : memref<1x4x10000xf32, #tpu.memory_space<hbm>> -> memref<4x10000xf32, #tpu.memory_space<hbm>>
          tpu.enqueue_dma source(%dma_start3A_298 : memref<4x10000xf32, #tpu.memory_space<hbm>>) target(%arg6 : memref<4x10000xf32, #tpu.memory_space<vmem>>) target_semaphore(%arg10 : memref<!tpu.dma_semaphore, #tpu.memory_space<semaphore_mem>>)
        } else {
        }
      } else {
      }
      %mul3A_165 = arith.constant 2 : i32
      %mul3A_166 = arith.muli %mul3A_165, %scan3A_112 : i32
      %add3A_167 = arith.constant 1 : i32
      %add3A_168 = arith.addi %mul3A_166, %add3A_167 : i32
      %mul3A_169 = arith.constant 32 : i32
      %mul3A_170 = arith.muli %add3A_168, %mul3A_169 : i32
      %add3A_171 = arith.addi %add3A, %mul3A_170 : i32
      %jit3A_172 = arith.constant 16 : i32
      %div3A_173 = arith.divsi %add3A_171, %jit3A_172 : i32
      %sign3A_174 = arith.constant 0 : i32
      %sign3A_175 = arith.cmpi sgt, %add3A_171, %sign3A_174 : i32
      %sign3A_176 = arith.extui %sign3A_175 : i1 to i32
      %sign3A_177 = arith.constant 0 : i32
      %sign3A_178 = arith.cmpi slt, %add3A_171, %sign3A_177 : i32
      %sign3A_179 = arith.extui %sign3A_178 : i1 to i32
      %sign3A_180 = arith.subi %sign3A_176, %sign3A_179 : i32
      %sign3A_181 = arith.constant 0 : i32
      %sign3A_182 = arith.cmpi sgt, %jit3A_172, %sign3A_181 : i32
      %sign3A_183 = arith.extui %sign3A_182 : i1 to i32
      %sign3A_184 = arith.constant 0 : i32
      %sign3A_185 = arith.cmpi slt, %jit3A_172, %sign3A_184 : i32
      %sign3A_186 = arith.extui %sign3A_185 : i1 to i32
      %sign3A_187 = arith.subi %sign3A_183, %sign3A_186 : i32
      %ne3A_188 = arith.cmpi ne, %sign3A_180, %sign3A_187 : i32
      %rem3A_189 = arith.remsi %add3A_171, %jit3A_172 : i32
      %ne3A_190 = arith.constant 0 : i32
      %ne3A_191 = arith.cmpi ne, %rem3A_189, %ne3A_190 : i32
      %and3A_192 = arith.andi %ne3A_188, %ne3A_191 : i1
      %sub3A_193 = arith.constant 1 : i32
      %sub3A_194 = arith.subi %div3A_173, %sub3A_193 : i32
      %select_n3A_195 = arith.select %and3A_192, %sub3A_194, %div3A_173 : i32
      %jit3A_196 = arith.constant 16 : i32
      %eq3A_197 = arith.constant 0 : i32
      %eq3A_198 = arith.cmpi eq, %jit3A_196, %eq3A_197 : i32
      %jit3A_199 = arith.constant 1 : i32
      %select_n3A_200 = arith.select %eq3A_198, %jit3A_199, %jit3A_196 : i32
      %rem3A_201 = arith.remsi %add3A_171, %select_n3A_200 : i32
      %ne3A_202 = arith.constant 0 : i32
      %ne3A_203 = arith.cmpi ne, %rem3A_201, %ne3A_202 : i32
      %lt3A_204 = arith.constant 0 : i32
      %lt3A_205 = arith.cmpi slt, %rem3A_201, %lt3A_204 : i32
      %lt3A_206 = arith.constant 0 : i32
      %lt3A_207 = arith.cmpi slt, %select_n3A_200, %lt3A_206 : i32
      %ne3A_208 = arith.xori %lt3A_205, %lt3A_207 : i1
      %and3A_209 = arith.andi %ne3A_208, %ne3A_203 : i1
      %add3A_210 = arith.addi %rem3A_201, %select_n3A_200 : i32
      %select_n3A_211 = arith.select %and3A_209, %add3A_210, %rem3A_201 : i32
      %mul3A_212 = arith.constant 4 : i32
      %mul3A_213 = arith.muli %select_n3A_211, %mul3A_212 : i32
      %lt3A_214 = arith.constant 1936 : i32
      %lt3A_215 = arith.cmpi slt, %add3A_171, %lt3A_214 : i32
      %convert_element_type3A_216 = arith.extui %lt3A_215 : i1 to i32
      %cond3A_217 = arith.constant 0 : i32
      %cond3A_218 = arith.cmpi ne, %convert_element_type3A_216, %cond3A_217 : i32
      scf.if %cond3A_218 {
        %dma_wait3A_219 = arith.constant 0 : i32
        %dma_wait3A_220 = tpu.memref_slice %arg2[%select_n3A_195, %mul3A_213, %dma_wait3A_219] : memref<121x64x10000xf32, #tpu.memory_space<hbm>> -> memref<1x4x10000xf32, #tpu.memory_space<hbm>>
        %dma_wait3A_221 = tpu.memref_squeeze %dma_wait3A_220 : memref<1x4x10000xf32, #tpu.memory_space<hbm>> -> memref<4x10000xf32, #tpu.memory_space<hbm>>
        %dma_wait3A_222 = arith.constant 0 : i32
        %dma_wait3A_223 = tpu.memref_slice %arg2[%select_n3A_195, %mul3A_213, %dma_wait3A_222] : memref<121x64x10000xf32, #tpu.memory_space<hbm>> -> memref<1x4x10000xf32, #tpu.memory_space<hbm>>
        %dma_wait3A_224 = tpu.memref_squeeze %dma_wait3A_223 : memref<1x4x10000xf32, #tpu.memory_space<hbm>> -> memref<4x10000xf32, #tpu.memory_space<hbm>>
        tpu.wait_dma2 semaphore(%arg11 : memref<!tpu.dma_semaphore, #tpu.memory_space<semaphore_mem>>) src(%dma_wait3A_224 : memref<4x10000xf32, #tpu.memory_space<hbm>>) dst(%arg7 : memref<4x10000xf32, #tpu.memory_space<vmem>>)
        %gt3A = arith.constant 0 : i32
        %gt3A_225 = arith.cmpi sgt, %scan3A_112, %gt3A : i32
        %convert_element_type3A_226 = arith.extui %gt3A_225 : i1 to i32
        %cond3A_227 = arith.constant 0 : i32
        %cond3A_228 = arith.cmpi ne, %convert_element_type3A_226, %cond3A_227 : i32
        scf.if %cond3A_228 {
          %dma_wait3A_293 = arith.constant 0 : i32
          %dma_wait3A_294 = tpu.memref_slice %arg4[%select_n3A_195, %mul3A_213, %dma_wait3A_293] : memref<121x64x4096xf32, #tpu.memory_space<hbm>> -> memref<1x4x4096xf32, #tpu.memory_space<hbm>>
          %dma_wait3A_295 = tpu.memref_squeeze %dma_wait3A_294 : memref<1x4x4096xf32, #tpu.memory_space<hbm>> -> memref<4x4096xf32, #tpu.memory_space<hbm>>
          %dma_wait3A_296 = arith.constant 0 : i32
          %dma_wait3A_297 = tpu.memref_slice %arg4[%select_n3A_195, %mul3A_213, %dma_wait3A_296] : memref<121x64x4096xf32, #tpu.memory_space<hbm>> -> memref<1x4x4096xf32, #tpu.memory_space<hbm>>
          %dma_wait3A_298 = tpu.memref_squeeze %dma_wait3A_297 : memref<1x4x4096xf32, #tpu.memory_space<hbm>> -> memref<4x4096xf32, #tpu.memory_space<hbm>>
          tpu.wait_dma2 semaphore(%arg13 : memref<!tpu.dma_semaphore, #tpu.memory_space<semaphore_mem>>) src(%arg9 : memref<4x4096xf32, #tpu.memory_space<vmem>>) dst(%dma_wait3A_298 : memref<4x4096xf32, #tpu.memory_space<hbm>>)
        } else {
        }
        %scan3A_229 = arith.constant 0 : i32
        %scan3A_230 = arith.constant 0 : i32
        %scan3A_231 = arith.constant 64 : i32
        %scan3A_232 = arith.addi %scan3A_230, %scan3A_231 : i32
        %scan3A_233 = arith.constant 1 : i32
        scf.for %scan3A_293 = %scan3A_230 to %scan3A_232 step %scan3A_233  : i32 {
          %mul3A_294 = arith.constant 4 : i32
          %mul3A_295 = arith.muli %scan3A_293, %mul3A_294 : i32
          %add3A_296 = arith.constant 0 : i32
          %add3A_297 = arith.addi %mul3A_295, %add3A_296 : i32
          %mul3A_298 = arith.constant 16 : i32
          %mul3A_299 = arith.muli %add3A_297, %mul3A_298 : i32
          %get3A = arith.index_cast %mul3A_299 : i32 to index
          %get3A_300 = tpu.vector_load %arg5[%get3A] {strides = array<i32>} : memref<4096xi32, #tpu.memory_space<vmem>>, vector<16xi32>,
          %broadcast_in_dim3A = arith.constant 0 : i32
          %broadcast_in_dim3A_301 = vector.broadcast %broadcast_in_dim3A : i32 to vector<16xi32>
          %gather3A = tpu.vector_load_idx %arg7[%broadcast_in_dim3A_301, %get3A_300] : memref<4x10000xf32, #tpu.memory_space<vmem>>[vector<16xi32>, vector<16xi32>], vector<16xf32>,
          %broadcast_in_dim3A_302 = arith.constant 1 : i32
          %broadcast_in_dim3A_303 = vector.broadcast %broadcast_in_dim3A_302 : i32 to vector<16xi32>
          %gather3A_304 = tpu.vector_load_idx %arg7[%broadcast_in_dim3A_303, %get3A_300] : memref<4x10000xf32, #tpu.memory_space<vmem>>[vector<16xi32>, vector<16xi32>], vector<16xf32>,
          %broadcast_in_dim3A_305 = arith.constant 2 : i32
          %broadcast_in_dim3A_306 = vector.broadcast %broadcast_in_dim3A_305 : i32 to vector<16xi32>
          %gather3A_307 = tpu.vector_load_idx %arg7[%broadcast_in_dim3A_306, %get3A_300] : memref<4x10000xf32, #tpu.memory_space<vmem>>[vector<16xi32>, vector<16xi32>], vector<16xf32>,
          %broadcast_in_dim3A_308 = arith.constant 3 : i32
          %broadcast_in_dim3A_309 = vector.broadcast %broadcast_in_dim3A_308 : i32 to vector<16xi32>
          %gather3A_310 = tpu.vector_load_idx %arg7[%broadcast_in_dim3A_309, %get3A_300] : memref<4x10000xf32, #tpu.memory_space<vmem>>[vector<16xi32>, vector<16xi32>], vector<16xf32>,
          %mul3A_311 = arith.constant 4 : i32
          %mul3A_312 = arith.muli %scan3A_293, %mul3A_311 : i32
          %add3A_313 = arith.constant 1 : i32
          %add3A_314 = arith.addi %mul3A_312, %add3A_313 : i32
          %mul3A_315 = arith.constant 16 : i32
          %mul3A_316 = arith.muli %add3A_314, %mul3A_315 : i32
          %get3A_317 = arith.index_cast %mul3A_316 : i32 to index
          %get3A_318 = tpu.vector_load %arg5[%get3A_317] {strides = array<i32>} : memref<4096xi32, #tpu.memory_space<vmem>>, vector<16xi32>,
          %broadcast_in_dim3A_319 = arith.constant 0 : i32
          %broadcast_in_dim3A_320 = vector.broadcast %broadcast_in_dim3A_319 : i32 to vector<16xi32>
          %gather3A_321 = tpu.vector_load_idx %arg7[%broadcast_in_dim3A_320, %get3A_318] : memref<4x10000xf32, #tpu.memory_space<vmem>>[vector<16xi32>, vector<16xi32>], vector<16xf32>,
          %broadcast_in_dim3A_322 = arith.constant 1 : i32
          %broadcast_in_dim3A_323 = vector.broadcast %broadcast_in_dim3A_322 : i32 to vector<16xi32>
          %gather3A_324 = tpu.vector_load_idx %arg7[%broadcast_in_dim3A_323, %get3A_318] : memref<4x10000xf32, #tpu.memory_space<vmem>>[vector<16xi32>, vector<16xi32>], vector<16xf32>,
          %broadcast_in_dim3A_325 = arith.constant 2 : i32
          %broadcast_in_dim3A_326 = vector.broadcast %broadcast_in_dim3A_325 : i32 to vector<16xi32>
          %gather3A_327 = tpu.vector_load_idx %arg7[%broadcast_in_dim3A_326, %get3A_318] : memref<4x10000xf32, #tpu.memory_space<vmem>>[vector<16xi32>, vector<16xi32>], vector<16xf32>,
          %broadcast_in_dim3A_328 = arith.constant 3 : i32
          %broadcast_in_dim3A_329 = vector.broadcast %broadcast_in_dim3A_328 : i32 to vector<16xi32>
          %gather3A_330 = tpu.vector_load_idx %arg7[%broadcast_in_dim3A_329, %get3A_318] : memref<4x10000xf32, #tpu.memory_space<vmem>>[vector<16xi32>, vector<16xi32>], vector<16xf32>,
          %mul3A_331 = arith.constant 4 : i32
          %mul3A_332 = arith.muli %scan3A_293, %mul3A_331 : i32
          %add3A_333 = arith.constant 2 : i32
          %add3A_334 = arith.addi %mul3A_332, %add3A_333 : i32
          %mul3A_335 = arith.constant 16 : i32
          %mul3A_336 = arith.muli %add3A_334, %mul3A_335 : i32
          %get3A_337 = arith.index_cast %mul3A_336 : i32 to index
          %get3A_338 = tpu.vector_load %arg5[%get3A_337] {strides = array<i32>} : memref<4096xi32, #tpu.memory_space<vmem>>, vector<16xi32>,
          %broadcast_in_dim3A_339 = arith.constant 0 : i32
          %broadcast_in_dim3A_340 = vector.broadcast %broadcast_in_dim3A_339 : i32 to vector<16xi32>
          %gather3A_341 = tpu.vector_load_idx %arg7[%broadcast_in_dim3A_340, %get3A_338] : memref<4x10000xf32, #tpu.memory_space<vmem>>[vector<16xi32>, vector<16xi32>], vector<16xf32>,
          %broadcast_in_dim3A_342 = arith.constant 1 : i32
          %broadcast_in_dim3A_343 = vector.broadcast %broadcast_in_dim3A_342 : i32 to vector<16xi32>
          %gather3A_344 = tpu.vector_load_idx %arg7[%broadcast_in_dim3A_343, %get3A_338] : memref<4x10000xf32, #tpu.memory_space<vmem>>[vector<16xi32>, vector<16xi32>], vector<16xf32>,
          %broadcast_in_dim3A_345 = arith.constant 2 : i32
          %broadcast_in_dim3A_346 = vector.broadcast %broadcast_in_dim3A_345 : i32 to vector<16xi32>
          %gather3A_347 = tpu.vector_load_idx %arg7[%broadcast_in_dim3A_346, %get3A_338] : memref<4x10000xf32, #tpu.memory_space<vmem>>[vector<16xi32>, vector<16xi32>], vector<16xf32>,
          %broadcast_in_dim3A_348 = arith.constant 3 : i32
          %broadcast_in_dim3A_349 = vector.broadcast %broadcast_in_dim3A_348 : i32 to vector<16xi32>
          %gather3A_350 = tpu.vector_load_idx %arg7[%broadcast_in_dim3A_349, %get3A_338] : memref<4x10000xf32, #tpu.memory_space<vmem>>[vector<16xi32>, vector<16xi32>], vector<16xf32>,
          %mul3A_351 = arith.constant 4 : i32
          %mul3A_352 = arith.muli %scan3A_293, %mul3A_351 : i32
          %add3A_353 = arith.constant 3 : i32
          %add3A_354 = arith.addi %mul3A_352, %add3A_353 : i32
          %mul3A_355 = arith.constant 16 : i32
          %mul3A_356 = arith.muli %add3A_354, %mul3A_355 : i32
          %get3A_357 = arith.index_cast %mul3A_356 : i32 to index
          %get3A_358 = tpu.vector_load %arg5[%get3A_357] {strides = array<i32>} : memref<4096xi32, #tpu.memory_space<vmem>>, vector<16xi32>,
          %broadcast_in_dim3A_359 = arith.constant 0 : i32
          %broadcast_in_dim3A_360 = vector.broadcast %broadcast_in_dim3A_359 : i32 to vector<16xi32>
          %gather3A_361 = tpu.vector_load_idx %arg7[%broadcast_in_dim3A_360, %get3A_358] : memref<4x10000xf32, #tpu.memory_space<vmem>>[vector<16xi32>, vector<16xi32>], vector<16xf32>,
          %broadcast_in_dim3A_362 = arith.constant 1 : i32
          %broadcast_in_dim3A_363 = vector.broadcast %broadcast_in_dim3A_362 : i32 to vector<16xi32>
          %gather3A_364 = tpu.vector_load_idx %arg7[%broadcast_in_dim3A_363, %get3A_358] : memref<4x10000xf32, #tpu.memory_space<vmem>>[vector<16xi32>, vector<16xi32>], vector<16xf32>,
          %broadcast_in_dim3A_365 = arith.constant 2 : i32
          %broadcast_in_dim3A_366 = vector.broadcast %broadcast_in_dim3A_365 : i32 to vector<16xi32>
          %gather3A_367 = tpu.vector_load_idx %arg7[%broadcast_in_dim3A_366, %get3A_358] : memref<4x10000xf32, #tpu.memory_space<vmem>>[vector<16xi32>, vector<16xi32>], vector<16xf32>,
          %broadcast_in_dim3A_368 = arith.constant 3 : i32
          %broadcast_in_dim3A_369 = vector.broadcast %broadcast_in_dim3A_368 : i32 to vector<16xi32>
          %gather3A_370 = tpu.vector_load_idx %arg7[%broadcast_in_dim3A_369, %get3A_358] : memref<4x10000xf32, #tpu.memory_space<vmem>>[vector<16xi32>, vector<16xi32>], vector<16xf32>,
          %mul3A_371 = arith.constant 16 : i32
          %mul3A_372 = arith.muli %add3A_297, %mul3A_371 : i32
          %swap3A = arith.constant 0 : i32
          %swap3A_373 = arith.index_cast %swap3A : i32 to index
          %swap3A_374 = arith.index_cast %mul3A_372 : i32 to index
          %swap3A_375 = tpu.vector_load %arg9[%swap3A_373, %swap3A_374] {strides = array<i32>} : memref<4x4096xf32, #tpu.memory_space<vmem>>, vector<16xf32>,
          tpu.vector_store %arg9[%swap3A_373, %swap3A_374], %gather3A {strides = array<i32>} : memref<4x4096xf32, #tpu.memory_space<vmem>>, vector<16xf32>,
          %mul3A_376 = arith.constant 16 : i32
          %mul3A_377 = arith.muli %add3A_297, %mul3A_376 : i32
          %swap3A_378 = arith.constant 1 : i32
          %swap3A_379 = arith.index_cast %swap3A_378 : i32 to index
          %swap3A_380 = arith.index_cast %mul3A_377 : i32 to index
          %swap3A_381 = tpu.vector_load %arg9[%swap3A_379, %swap3A_380] {strides = array<i32>} : memref<4x4096xf32, #tpu.memory_space<vmem>>, vector<16xf32>,
          tpu.vector_store %arg9[%swap3A_379, %swap3A_380], %gather3A_304 {strides = array<i32>} : memref<4x4096xf32, #tpu.memory_space<vmem>>, vector<16xf32>,
          %mul3A_382 = arith.constant 16 : i32
          %mul3A_383 = arith.muli %add3A_297, %mul3A_382 : i32
          %swap3A_384 = arith.constant 2 : i32
          %swap3A_385 = arith.index_cast %swap3A_384 : i32 to index
          %swap3A_386 = arith.index_cast %mul3A_383 : i32 to index
          %swap3A_387 = tpu.vector_load %arg9[%swap3A_385, %swap3A_386] {strides = array<i32>} : memref<4x4096xf32, #tpu.memory_space<vmem>>, vector<16xf32>,
          tpu.vector_store %arg9[%swap3A_385, %swap3A_386], %gather3A_307 {strides = array<i32>} : memref<4x4096xf32, #tpu.memory_space<vmem>>, vector<16xf32>,
          %mul3A_388 = arith.constant 16 : i32
          %mul3A_389 = arith.muli %add3A_297, %mul3A_388 : i32
          %swap3A_390 = arith.constant 3 : i32
          %swap3A_391 = arith.index_cast %swap3A_390 : i32 to index
          %swap3A_392 = arith.index_cast %mul3A_389 : i32 to index
          %swap3A_393 = tpu.vector_load %arg9[%swap3A_391, %swap3A_392] {strides = array<i32>} : memref<4x4096xf32, #tpu.memory_space<vmem>>, vector<16xf32>,
          tpu.vector_store %arg9[%swap3A_391, %swap3A_392], %gather3A_310 {strides = array<i32>} : memref<4x4096xf32, #tpu.memory_space<vmem>>, vector<16xf32>,
          %mul3A_394 = arith.constant 16 : i32
          %mul3A_395 = arith.muli %add3A_314, %mul3A_394 : i32
          %swap3A_396 = arith.constant 0 : i32
          %swap3A_397 = arith.index_cast %swap3A_396 : i32 to index
          %swap3A_398 = arith.index_cast %mul3A_395 : i32 to index
          %swap3A_399 = tpu.vector_load %arg9[%swap3A_397, %swap3A_398] {strides = array<i32>} : memref<4x4096xf32, #tpu.memory_space<vmem>>, vector<16xf32>,
          tpu.vector_store %arg9[%swap3A_397, %swap3A_398], %gather3A_321 {strides = array<i32>} : memref<4x4096xf32, #tpu.memory_space<vmem>>, vector<16xf32>,
          %mul3A_400 = arith.constant 16 : i32
          %mul3A_401 = arith.muli %add3A_314, %mul3A_400 : i32
          %swap3A_402 = arith.constant 1 : i32
          %swap3A_403 = arith.index_cast %swap3A_402 : i32 to index
          %swap3A_404 = arith.index_cast %mul3A_401 : i32 to index
          %swap3A_405 = tpu.vector_load %arg9[%swap3A_403, %swap3A_404] {strides = array<i32>} : memref<4x4096xf32, #tpu.memory_space<vmem>>, vector<16xf32>,
          tpu.vector_store %arg9[%swap3A_403, %swap3A_404], %gather3A_324 {strides = array<i32>} : memref<4x4096xf32, #tpu.memory_space<vmem>>, vector<16xf32>,
          %mul3A_406 = arith.constant 16 : i32
          %mul3A_407 = arith.muli %add3A_314, %mul3A_406 : i32
          %swap3A_408 = arith.constant 2 : i32
          %swap3A_409 = arith.index_cast %swap3A_408 : i32 to index
          %swap3A_410 = arith.index_cast %mul3A_407 : i32 to index
          %swap3A_411 = tpu.vector_load %arg9[%swap3A_409, %swap3A_410] {strides = array<i32>} : memref<4x4096xf32, #tpu.memory_space<vmem>>, vector<16xf32>,
          tpu.vector_store %arg9[%swap3A_409, %swap3A_410], %gather3A_327 {strides = array<i32>} : memref<4x4096xf32, #tpu.memory_space<vmem>>, vector<16xf32>,
          %mul3A_412 = arith.constant 16 : i32
          %mul3A_413 = arith.muli %add3A_314, %mul3A_412 : i32
          %swap3A_414 = arith.constant 3 : i32
          %swap3A_415 = arith.index_cast %swap3A_414 : i32 to index
          %swap3A_416 = arith.index_cast %mul3A_413 : i32 to index
          %swap3A_417 = tpu.vector_load %arg9[%swap3A_415, %swap3A_416] {strides = array<i32>} : memref<4x4096xf32, #tpu.memory_space<vmem>>, vector<16xf32>,
          tpu.vector_store %arg9[%swap3A_415, %swap3A_416], %gather3A_330 {strides = array<i32>} : memref<4x4096xf32, #tpu.memory_space<vmem>>, vector<16xf32>,
          %mul3A_418 = arith.constant 16 : i32
          %mul3A_419 = arith.muli %add3A_334, %mul3A_418 : i32
          %swap3A_420 = arith.constant 0 : i32
          %swap3A_421 = arith.index_cast %swap3A_420 : i32 to index
          %swap3A_422 = arith.index_cast %mul3A_419 : i32 to index
          %swap3A_423 = tpu.vector_load %arg9[%swap3A_421, %swap3A_422] {strides = array<i32>} : memref<4x4096xf32, #tpu.memory_space<vmem>>, vector<16xf32>,
          tpu.vector_store %arg9[%swap3A_421, %swap3A_422], %gather3A_341 {strides = array<i32>} : memref<4x4096xf32, #tpu.memory_space<vmem>>, vector<16xf32>,
          %mul3A_424 = arith.constant 16 : i32
          %mul3A_425 = arith.muli %add3A_334, %mul3A_424 : i32
          %swap3A_426 = arith.constant 1 : i32
          %swap3A_427 = arith.index_cast %swap3A_426 : i32 to index
          %swap3A_428 = arith.index_cast %mul3A_425 : i32 to index
          %swap3A_429 = tpu.vector_load %arg9[%swap3A_427, %swap3A_428] {strides = array<i32>} : memref<4x4096xf32, #tpu.memory_space<vmem>>, vector<16xf32>,
          tpu.vector_store %arg9[%swap3A_427, %swap3A_428], %gather3A_344 {strides = array<i32>} : memref<4x4096xf32, #tpu.memory_space<vmem>>, vector<16xf32>,
          %mul3A_430 = arith.constant 16 : i32
          %mul3A_431 = arith.muli %add3A_334, %mul3A_430 : i32
          %swap3A_432 = arith.constant 2 : i32
          %swap3A_433 = arith.index_cast %swap3A_432 : i32 to index
          %swap3A_434 = arith.index_cast %mul3A_431 : i32 to index
          %swap3A_435 = tpu.vector_load %arg9[%swap3A_433, %swap3A_434] {strides = array<i32>} : memref<4x4096xf32, #tpu.memory_space<vmem>>, vector<16xf32>,
          tpu.vector_store %arg9[%swap3A_433, %swap3A_434], %gather3A_347 {strides = array<i32>} : memref<4x4096xf32, #tpu.memory_space<vmem>>, vector<16xf32>,
          %mul3A_436 = arith.constant 16 : i32
          %mul3A_437 = arith.muli %add3A_334, %mul3A_436 : i32
          %swap3A_438 = arith.constant 3 : i32
          %swap3A_439 = arith.index_cast %swap3A_438 : i32 to index
          %swap3A_440 = arith.index_cast %mul3A_437 : i32 to index
          %swap3A_441 = tpu.vector_load %arg9[%swap3A_439, %swap3A_440] {strides = array<i32>} : memref<4x4096xf32, #tpu.memory_space<vmem>>, vector<16xf32>,
          tpu.vector_store %arg9[%swap3A_439, %swap3A_440], %gather3A_350 {strides = array<i32>} : memref<4x4096xf32, #tpu.memory_space<vmem>>, vector<16xf32>,
          %mul3A_442 = arith.constant 16 : i32
          %mul3A_443 = arith.muli %add3A_354, %mul3A_442 : i32
          %swap3A_444 = arith.constant 0 : i32
          %swap3A_445 = arith.index_cast %swap3A_444 : i32 to index
          %swap3A_446 = arith.index_cast %mul3A_443 : i32 to index
          %swap3A_447 = tpu.vector_load %arg9[%swap3A_445, %swap3A_446] {strides = array<i32>} : memref<4x4096xf32, #tpu.memory_space<vmem>>, vector<16xf32>,
          tpu.vector_store %arg9[%swap3A_445, %swap3A_446], %gather3A_361 {strides = array<i32>} : memref<4x4096xf32, #tpu.memory_space<vmem>>, vector<16xf32>,
          %mul3A_448 = arith.constant 16 : i32
          %mul3A_449 = arith.muli %add3A_354, %mul3A_448 : i32
          %swap3A_450 = arith.constant 1 : i32
          %swap3A_451 = arith.index_cast %swap3A_450 : i32 to index
          %swap3A_452 = arith.index_cast %mul3A_449 : i32 to index
          %swap3A_453 = tpu.vector_load %arg9[%swap3A_451, %swap3A_452] {strides = array<i32>} : memref<4x4096xf32, #tpu.memory_space<vmem>>, vector<16xf32>,
          tpu.vector_store %arg9[%swap3A_451, %swap3A_452], %gather3A_364 {strides = array<i32>} : memref<4x4096xf32, #tpu.memory_space<vmem>>, vector<16xf32>,
          %mul3A_454 = arith.constant 16 : i32
          %mul3A_455 = arith.muli %add3A_354, %mul3A_454 : i32
          %swap3A_456 = arith.constant 2 : i32
          %swap3A_457 = arith.index_cast %swap3A_456 : i32 to index
          %swap3A_458 = arith.index_cast %mul3A_455 : i32 to index
          %swap3A_459 = tpu.vector_load %arg9[%swap3A_457, %swap3A_458] {strides = array<i32>} : memref<4x4096xf32, #tpu.memory_space<vmem>>, vector<16xf32>,
          tpu.vector_store %arg9[%swap3A_457, %swap3A_458], %gather3A_367 {strides = array<i32>} : memref<4x4096xf32, #tpu.memory_space<vmem>>, vector<16xf32>,
          %mul3A_460 = arith.constant 16 : i32
          %mul3A_461 = arith.muli %add3A_354, %mul3A_460 : i32
          %swap3A_462 = arith.constant 3 : i32
          %swap3A_463 = arith.index_cast %swap3A_462 : i32 to index
          %swap3A_464 = arith.index_cast %mul3A_461 : i32 to index
          %swap3A_465 = tpu.vector_load %arg9[%swap3A_463, %swap3A_464] {strides = array<i32>} : memref<4x4096xf32, #tpu.memory_space<vmem>>, vector<16xf32>,
          tpu.vector_store %arg9[%swap3A_463, %swap3A_464], %gather3A_370 {strides = array<i32>} : memref<4x4096xf32, #tpu.memory_space<vmem>>, vector<16xf32>,
        }
        %scan3A_234 = arith.constant 64 : i32
        %dma_start3A_235 = arith.constant 0 : i32
        %dma_start3A_236 = tpu.memref_slice %arg4[%select_n3A_195, %mul3A_213, %dma_start3A_235] : memref<121x64x4096xf32, #tpu.memory_space<hbm>> -> memref<1x4x4096xf32, #tpu.memory_space<hbm>>
        %dma_start3A_237 = tpu.memref_squeeze %dma_start3A_236 : memref<1x4x4096xf32, #tpu.memory_space<hbm>> -> memref<4x4096xf32, #tpu.memory_space<hbm>>
        %dma_start3A_238 = arith.constant 0 : i32
        %dma_start3A_239 = tpu.memref_slice %arg4[%select_n3A_195, %mul3A_213, %dma_start3A_238] : memref<121x64x4096xf32, #tpu.memory_space<hbm>> -> memref<1x4x4096xf32, #tpu.memory_space<hbm>>
        %dma_start3A_240 = tpu.memref_squeeze %dma_start3A_239 : memref<1x4x4096xf32, #tpu.memory_space<hbm>> -> memref<4x4096xf32, #tpu.memory_space<hbm>>
        tpu.enqueue_dma source(%arg9 : memref<4x4096xf32, #tpu.memory_space<vmem>>) target(%dma_start3A_240 : memref<4x4096xf32, #tpu.memory_space<hbm>>) target_semaphore(%arg13 : memref<!tpu.dma_semaphore, #tpu.memory_space<semaphore_mem>>)
        %add3A_241 = arith.constant 2 : i32
        %add3A_242 = arith.addi %add3A_168, %add3A_241 : i32
        %mul3A_243 = arith.constant 32 : i32
        %mul3A_244 = arith.muli %add3A_242, %mul3A_243 : i32
        %add3A_245 = arith.addi %add3A, %mul3A_244 : i32
        %jit3A_246 = arith.constant 16 : i32
        %div3A_247 = arith.divsi %add3A_245, %jit3A_246 : i32
        %sign3A_248 = arith.constant 0 : i32
        %sign3A_249 = arith.cmpi sgt, %add3A_245, %sign3A_248 : i32
        %sign3A_250 = arith.extui %sign3A_249 : i1 to i32
        %sign3A_251 = arith.constant 0 : i32
        %sign3A_252 = arith.cmpi slt, %add3A_245, %sign3A_251 : i32
        %sign3A_253 = arith.extui %sign3A_252 : i1 to i32
        %sign3A_254 = arith.subi %sign3A_250, %sign3A_253 : i32
        %sign3A_255 = arith.constant 0 : i32
        %sign3A_256 = arith.cmpi sgt, %jit3A_246, %sign3A_255 : i32
        %sign3A_257 = arith.extui %sign3A_256 : i1 to i32
        %sign3A_258 = arith.constant 0 : i32
        %sign3A_259 = arith.cmpi slt, %jit3A_246, %sign3A_258 : i32
        %sign3A_260 = arith.extui %sign3A_259 : i1 to i32
        %sign3A_261 = arith.subi %sign3A_257, %sign3A_260 : i32
        %ne3A_262 = arith.cmpi ne, %sign3A_254, %sign3A_261 : i32
        %rem3A_263 = arith.remsi %add3A_245, %jit3A_246 : i32
        %ne3A_264 = arith.constant 0 : i32
        %ne3A_265 = arith.cmpi ne, %rem3A_263, %ne3A_264 : i32
        %and3A_266 = arith.andi %ne3A_262, %ne3A_265 : i1
        %sub3A_267 = arith.constant 1 : i32
        %sub3A_268 = arith.subi %div3A_247, %sub3A_267 : i32
        %select_n3A_269 = arith.select %and3A_266, %sub3A_268, %div3A_247 : i32
        %jit3A_270 = arith.constant 16 : i32
        %eq3A_271 = arith.constant 0 : i32
        %eq3A_272 = arith.cmpi eq, %jit3A_270, %eq3A_271 : i32
        %jit3A_273 = arith.constant 1 : i32
        %select_n3A_274 = arith.select %eq3A_272, %jit3A_273, %jit3A_270 : i32
        %rem3A_275 = arith.remsi %add3A_245, %select_n3A_274 : i32
        %ne3A_276 = arith.constant 0 : i32
        %ne3A_277 = arith.cmpi ne, %rem3A_275, %ne3A_276 : i32
        %lt3A_278 = arith.constant 0 : i32
        %lt3A_279 = arith.cmpi slt, %rem3A_275, %lt3A_278 : i32
        %lt3A_280 = arith.constant 0 : i32
        %lt3A_281 = arith.cmpi slt, %select_n3A_274, %lt3A_280 : i32
        %ne3A_282 = arith.xori %lt3A_279, %lt3A_281 : i1
        %and3A_283 = arith.andi %ne3A_282, %ne3A_277 : i1
        %add3A_284 = arith.addi %rem3A_275, %select_n3A_274 : i32
        %select_n3A_285 = arith.select %and3A_283, %add3A_284, %rem3A_275 : i32
        %mul3A_286 = arith.constant 4 : i32
        %mul3A_287 = arith.muli %select_n3A_285, %mul3A_286 : i32
        %lt3A_288 = arith.constant 1936 : i32
        %lt3A_289 = arith.cmpi slt, %add3A_245, %lt3A_288 : i32
        %convert_element_type3A_290 = arith.extui %lt3A_289 : i1 to i32
        %cond3A_291 = arith.constant 0 : i32
        %cond3A_292 = arith.cmpi ne, %convert_element_type3A_290, %cond3A_291 : i32
        scf.if %cond3A_292 {
          %dma_start3A_293 = arith.constant 0 : i32
          %dma_start3A_294 = tpu.memref_slice %arg2[%select_n3A_269, %mul3A_287, %dma_start3A_293] : memref<121x64x10000xf32, #tpu.memory_space<hbm>> -> memref<1x4x10000xf32, #tpu.memory_space<hbm>>
          %dma_start3A_295 = tpu.memref_squeeze %dma_start3A_294 : memref<1x4x10000xf32, #tpu.memory_space<hbm>> -> memref<4x10000xf32, #tpu.memory_space<hbm>>
          %dma_start3A_296 = arith.constant 0 : i32
          %dma_start3A_297 = tpu.memref_slice %arg2[%select_n3A_269, %mul3A_287, %dma_start3A_296] : memref<121x64x10000xf32, #tpu.memory_space<hbm>> -> memref<1x4x10000xf32, #tpu.memory_space<hbm>>
          %dma_start3A_298 = tpu.memref_squeeze %dma_start3A_297 : memref<1x4x10000xf32, #tpu.memory_space<hbm>> -> memref<4x10000xf32, #tpu.memory_space<hbm>>
          tpu.enqueue_dma source(%dma_start3A_298 : memref<4x10000xf32, #tpu.memory_space<hbm>>) target(%arg7 : memref<4x10000xf32, #tpu.memory_space<vmem>>) target_semaphore(%arg11 : memref<!tpu.dma_semaphore, #tpu.memory_space<semaphore_mem>>)
        } else {
        }
      } else {
      }
    }
    %scan3A_94 = arith.constant 31 : i32
    %dma_wait3A = arith.constant 0 : i32
    %dma_wait3A_95 = arith.constant 0 : i32
    %dma_wait3A_96 = arith.constant 0 : i32
    %dma_wait3A_97 = tpu.memref_slice %arg4[%dma_wait3A, %dma_wait3A_95, %dma_wait3A_96] : memref<121x64x4096xf32, #tpu.memory_space<hbm>> -> memref<1x4x4096xf32, #tpu.memory_space<hbm>>
    %dma_wait3A_98 = tpu.memref_squeeze %dma_wait3A_97 : memref<1x4x4096xf32, #tpu.memory_space<hbm>> -> memref<4x4096xf32, #tpu.memory_space<hbm>>
    %dma_wait3A_99 = arith.constant 0 : i32
    %dma_wait3A_100 = arith.constant 0 : i32
    %dma_wait3A_101 = tpu.memref_slice %arg4[%dma_wait3A, %dma_wait3A_99, %dma_wait3A_100] : memref<121x64x4096xf32, #tpu.memory_space<hbm>> -> memref<1x4x4096xf32, #tpu.memory_space<hbm>>
    %dma_wait3A_102 = tpu.memref_squeeze %dma_wait3A_101 : memref<1x4x4096xf32, #tpu.memory_space<hbm>> -> memref<4x4096xf32, #tpu.memory_space<hbm>>
    tpu.wait_dma2 semaphore(%arg12 : memref<!tpu.dma_semaphore, #tpu.memory_space<semaphore_mem>>) src(%arg8 : memref<4x4096xf32, #tpu.memory_space<vmem>>) dst(%dma_wait3A_102 : memref<4x4096xf32, #tpu.memory_space<hbm>>)
    %dma_wait3A_103 = arith.constant 0 : i32
    %dma_wait3A_104 = arith.constant 0 : i32
    %dma_wait3A_105 = arith.constant 0 : i32
    %dma_wait3A_106 = tpu.memref_slice %arg4[%dma_wait3A_103, %dma_wait3A_104, %dma_wait3A_105] : memref<121x64x4096xf32, #tpu.memory_space<hbm>> -> memref<1x4x4096xf32, #tpu.memory_space<hbm>>
    %dma_wait3A_107 = tpu.memref_squeeze %dma_wait3A_106 : memref<1x4x4096xf32, #tpu.memory_space<hbm>> -> memref<4x4096xf32, #tpu.memory_space<hbm>>
    %dma_wait3A_108 = arith.constant 0 : i32
    %dma_wait3A_109 = arith.constant 0 : i32
    %dma_wait3A_110 = tpu.memref_slice %arg4[%dma_wait3A_103, %dma_wait3A_108, %dma_wait3A_109] : memref<121x64x4096xf32, #tpu.memory_space<hbm>> -> memref<1x4x4096xf32, #tpu.memory_space<hbm>>
    %dma_wait3A_111 = tpu.memref_squeeze %dma_wait3A_110 : memref<1x4x4096xf32, #tpu.memory_space<hbm>> -> memref<4x4096xf32, #tpu.memory_space<hbm>>
    tpu.wait_dma2 semaphore(%arg13 : memref<!tpu.dma_semaphore, #tpu.memory_space<semaphore_mem>>) src(%arg9 : memref<4x4096xf32, #tpu.memory_space<vmem>>) dst(%dma_wait3A_111 : memref<4x4096xf32, #tpu.memory_space<hbm>>)
    return
  }
}

#map = affine_map<(d0, d1) -> (0, 0)>
#map1 = affine_map<(d0, d1) -> (0)>
module attributes {stable_mosaic.version = 14 : i64} {
  func.func @_sc_coords(%arg0: i32, %arg1: i32, %arg2: memref<10000x16xf32, #tpu.memory_space<hbm>>, %arg3: memref<4096xi32, #tpu.memory_space<hbm>>, %arg4: memref<4096x16xf32, #tpu.memory_space<hbm>>, %arg5: memref<128xi32, #tpu.memory_space<vmem>>, %arg6: memref<128x16xf32, #tpu.memory_space<vmem>>, %arg7: memref<!tpu.dma_semaphore, #tpu.memory_space<semaphore_mem>>) attributes {dimension_semantics = [#tpu.dimension_semantics<core_parallel>, #tpu.dimension_semantics<subcore_parallel>], iteration_bounds = array<i64: 2, 16>, scalar_prefetch = 0 : i64, scratch_operands = 3 : i64, tpu.core_type = #tpu.core_type<sc_vector_subcore>, window_params = [{transform_indices = #map}, {transform_indices = #map1}, {transform_indices = #map}]} {
    %mul3A = arith.constant 2 : i32
    %mul3A_0 = arith.muli %arg1, %mul3A : i32
    %add3A = arith.addi %mul3A_0, %arg0 : i32
    %mul3A_1 = arith.constant 128 : i32
    %mul3A_2 = arith.muli %add3A, %mul3A_1 : i32
    "tpu.region"() ({
      %run_scoped3A = tpu.sem_alloc : memref<!tpu.dma_semaphore, #tpu.memory_space<semaphore_mem>>
      %dma_start3A_9 = tpu.memref_slice %arg3[%mul3A_2] : memref<4096xi32, #tpu.memory_space<hbm>> -> memref<128xi32, #tpu.memory_space<hbm>>
      %dma_start3A_10 = tpu.memref_slice %arg3[%mul3A_2] : memref<4096xi32, #tpu.memory_space<hbm>> -> memref<128xi32, #tpu.memory_space<hbm>>
      tpu.enqueue_dma source(%dma_start3A_10 : memref<128xi32, #tpu.memory_space<hbm>>) target(%arg5 : memref<128xi32, #tpu.memory_space<vmem>>) target_semaphore(%run_scoped3A : memref<!tpu.dma_semaphore, #tpu.memory_space<semaphore_mem>>)
      %dma_wait3A_11 = tpu.memref_slice %arg3[%mul3A_2] : memref<4096xi32, #tpu.memory_space<hbm>> -> memref<128xi32, #tpu.memory_space<hbm>>
      %dma_wait3A_12 = tpu.memref_slice %arg3[%mul3A_2] : memref<4096xi32, #tpu.memory_space<hbm>> -> memref<128xi32, #tpu.memory_space<hbm>>
      tpu.wait_dma2 semaphore(%run_scoped3A : memref<!tpu.dma_semaphore, #tpu.memory_space<semaphore_mem>>) src(%dma_wait3A_12 : memref<128xi32, #tpu.memory_space<hbm>>) dst(%arg5 : memref<128xi32, #tpu.memory_space<vmem>>)
      tpu.yield
    }) : () -> ()
    %dma_start3A = arith.constant 0 : i32
    %dma_start3A_3 = arith.constant 0 : i32
    %dma_start3A_4 = tpu.memref_slice %arg2[%dma_start3A, %dma_start3A_3] : memref<10000x16xf32, #tpu.memory_space<hbm>> -> memref<10000x16xf32, #tpu.memory_space<hbm>>
    tpu.enqueue_indirect_dma source(%dma_start3A_4 : memref<10000x16xf32, #tpu.memory_space<hbm>>) target(%arg6 : memref<128x16xf32, #tpu.memory_space<vmem>>) offsets(%arg5 : memref<128xi32, #tpu.memory_space<vmem>>) semaphore(%arg7 : memref<!tpu.dma_semaphore, #tpu.memory_space<semaphore_mem>>)
    %dma_wait3A = arith.constant 0 : i32
    %dma_wait3A_5 = arith.constant 0 : i32
    %dma_wait3A_6 = tpu.memref_slice %arg2[%dma_wait3A, %dma_wait3A_5] : memref<10000x16xf32, #tpu.memory_space<hbm>> -> memref<10000x16xf32, #tpu.memory_space<hbm>>
    tpu.wait_indirect_dma semaphore(%arg7 : memref<!tpu.dma_semaphore, #tpu.memory_space<semaphore_mem>>) src(%dma_wait3A_6 : memref<10000x16xf32, #tpu.memory_space<hbm>>) dst(%arg6 : memref<128x16xf32, #tpu.memory_space<vmem>>)
    %mul3A_7 = arith.constant 128 : i32
    %mul3A_8 = arith.muli %add3A, %mul3A_7 : i32
    "tpu.region"() ({
      %run_scoped3A = tpu.sem_alloc : memref<!tpu.dma_semaphore, #tpu.memory_space<semaphore_mem>>
      %dma_start3A_9 = arith.constant 0 : i32
      %dma_start3A_10 = tpu.memref_slice %arg4[%mul3A_8, %dma_start3A_9] : memref<4096x16xf32, #tpu.memory_space<hbm>> -> memref<128x16xf32, #tpu.memory_space<hbm>>
      %dma_start3A_11 = arith.constant 0 : i32
      %dma_start3A_12 = tpu.memref_slice %arg4[%mul3A_8, %dma_start3A_11] : memref<4096x16xf32, #tpu.memory_space<hbm>> -> memref<128x16xf32, #tpu.memory_space<hbm>>
      tpu.enqueue_dma source(%arg6 : memref<128x16xf32, #tpu.memory_space<vmem>>) target(%dma_start3A_12 : memref<128x16xf32, #tpu.memory_space<hbm>>) target_semaphore(%run_scoped3A : memref<!tpu.dma_semaphore, #tpu.memory_space<semaphore_mem>>)
      %dma_wait3A_13 = arith.constant 0 : i32
      %dma_wait3A_14 = tpu.memref_slice %arg4[%mul3A_8, %dma_wait3A_13] : memref<4096x16xf32, #tpu.memory_space<hbm>> -> memref<128x16xf32, #tpu.memory_space<hbm>>
      %dma_wait3A_15 = arith.constant 0 : i32
      %dma_wait3A_16 = tpu.memref_slice %arg4[%mul3A_8, %dma_wait3A_15] : memref<4096x16xf32, #tpu.memory_space<hbm>> -> memref<128x16xf32, #tpu.memory_space<hbm>>
      tpu.wait_dma2 semaphore(%run_scoped3A : memref<!tpu.dma_semaphore, #tpu.memory_space<semaphore_mem>>) src(%arg6 : memref<128x16xf32, #tpu.memory_space<vmem>>) dst(%dma_wait3A_16 : memref<128x16xf32, #tpu.memory_space<hbm>>)
      tpu.yield
    }) : () -> ()
    return
  }
}

</mosaic_0001>

<sc_bundles>
// kernel: _run.4.cloned.1.call-start
scs
__scs_entry_jumppad:
0x0: {  	(pc) =	sbr.rel $0x88, $3  }
0x1: {  	(tag) =	ssettag $0x0;
	lr =	simm.s32 $0x1  }
0x2: {  	[smem:$0x3F9E] =	sst lr;
	_ =	strace $0xD0000000  }
0x3: {  	_ = 	snop  }
0x4: {  	_ = 	snop  }
0x5: {  	_ = 	snop  }
0x6: {  	_ = 	snop  }
0x7: {  	_ = 	snop  }
__scs_overlays_trampoline_lowered:
0x8: {  	[smem:$0x3FAD] =	sst s0  }
0x9: {  	[smem:$0x3FAE] =	sst s1  }
0xa: {  	[smem:$0x3FAF] =	sst s2  }
0xb: {  	[smem:$0x3FB0] =	sst s3  }
0xc: {  	[smem:$0x3FB1] =	sst s4  }
0xd: {  	[smem:$0x3FB2] =	sst s5  }
0xe: {  	[smem:$0x3FB3] =	sst s6  }
0xf: {  	[smem:$0x3FB4] =	sst s7  }
0x10: {  	[smem:$0x3FB5] =	sst s8  }
0x11: {  	[smem:$0x3FB6] =	sst s9;
	s0 =	simm.s32 @!p0 $0x0  }
0x12: {  	s1 =	sld [smem:$0x3F9C];
	s0 =	simm.s32 @p0 $0x1  }
0x13: {  	[smem:$0x3FB7] =	sst s0;
	s0 =	simm.s32 @!p1 $0x0  }
0x14: {  	s2 =	sld [smem:$0x3F9B];
	s0 =	simm.s32 @p1 $0x1  }
0x15: {  	[smem:$0x3FB8] =	sst s0;
	s0 =	simm.s32 @!p2 $0x0  }
0x16: {  	s3 =	sld [smem:$0x3FDB];
	s0 =	simm.s32 @p2 $0x1  }
0x17: {  	s4 =	simm.s32 $0x1BF5;
	[smem:$0x3FBA] =	sst s0  }
0x18: {  	s0 =	sld [smem:$0x3F9D];
	_ =	swait.ge [sflag:s4], $0x0  }
0x19: {  	s7 =	sld [smem:$0x3F9E]  }
0x1a: {  	s8 =	sadd.s32 $0xFFFFE003, lr  }
0x1b: {  	s9 =	sadd.s32 $0xFFFFFEF7, lr;
	s5 =	simm.s32 $0xFFFFFFFF;
	p2 =	slt.u32 s8, $0xFFFFF086  }
0x1c: {  	p1 =	slt.u32 s9, $0xF7A;
	s5 =	simm.s32 @!p2 $0x0  }
0x1d: {  	s5 =	simm.s32 @p1 $0x1;
	p0 =	seq.s32 s7, s2  }
0x1e: {  	s7 =	smul.u32 @!p0 $0xF7A, s2;
	p2 =	seq.s32 @!p0 s5, $0x0  }
0x1f: {  	s9 =	smul.u32 $0xF7A, s1;
	s8 =	simm.s32 @!p0 $0x1BF5;
	p2 =	por !p2, p0  }
0x20: {  	[sflag:s8] =	ssyncset.s32 @!p0 $0xFFFFF086;
	s6 =	sadd.s32 @!p0 s3, s7;
	s7 =	simm.s32 @!p0 $0x108  }
0x21: {  	s3 =	sadd.s32 s3, s9;
	s6 =	sadd.s32 @!p0 $0x88, s6;
	s7 =	simm.s32 @p2 $0x1082  }
0x22: {  	[simem:s7], [sflag:s8] =	dma.local @!p0 [hbm:s6], $0xF7A  }
0x23: {  	s9 =	sor.u32 $0xD0000000, s2;
	s6 =	simm.s32 $0x108;
	_ =	swait.ge @!p0 [sflag:s8], $0x0  }
0x24: {  	s3 =	sadd.s32 $0x88, s3;
	s6 =	simm.s32 @!p1 $0x1082;
	[sflag:s4] =	ssyncset.s32 $0xFFFFF086  }
0x25: {  	[simem:s6], [sflag:s4] =	dma.local [hbm:s3], $0xF7A  }
0x26: {  	[smem:$0x3F9E] =	sst s1;
	(tag) =	ssettag s2;
	_ =	strace s9  }
0x27: {  	s1 =	sld [smem:$0x3FAE]  }
0x28: {  	s2 =	sld [smem:$0x3FAF]  }
0x29: {  	s4 =	sld [smem:$0x3FB1]  }
0x2a: {  	p0 =	seq.s32 s5, $0x0;
	s5 =	sld [smem:$0x3FB2]  }
0x2b: {  	s6 =	sld [smem:$0x3FB3]  }
0x2c: {  	s7 =	sld [smem:$0x3FB4]  }
0x2d: {  	s3 =	simm.s32 $0x108;
	s8 =	sld [smem:$0x3FB5]  }
0x2e: {  	s3 =	simm.s32 @!p0 $0x1082;
	s9 =	sld [smem:$0x3FB6]  }
0x2f: {  	lr =	sadd.s32 s0, s3;
	s0 =	sld [smem:$0x3FAD]  }
0x30: {  	s3 =	sld [smem:$0x3FB0]  }
0x31: {  	[smem:$0x3FB9] =	sst s10  }
0x32: {  	s10 =	sld [smem:$0x3FB7];
	_ =	sdelay $0x3  }
0x33: {  	p0 =	seq.s32 s10, $0x1;
	s10 =	sld [smem:$0x3FB9];
	_ =	sdelay $0x3  }
0x34: {  	[smem:$0x3FB9] =	sst s10  }
0x35: {  	s10 =	sld [smem:$0x3FB8];
	_ =	sdelay $0x3  }
0x36: {  	p1 =	seq.s32 s10, $0x1;
	s10 =	sld [smem:$0x3FB9];
	_ =	sdelay $0x3  }
0x37: {  	[smem:$0x3FB9] =	sst s10  }
0x38: {  	s10 =	sld [smem:$0x3FBA]  }
0x39: {  	_ = 	snop;
	(pc) =	sbr.ind lr, $3  }
0x3a: {  	_ = 	snop  }
0x3b: {  	_ = 	snop  }
0x3c: {  	p2 =	seq.s32 s10, $0x1;
	s10 =	sld [smem:$0x3FB9]  }
0x3d: {  	_ =	shalt  }
0x3e: {  	_ =	shalt  }
0x3f: {  	_ =	shalt  }
0x40: {  	_ =	shalt  }
0x41: {  	_ =	shalt  }
0x42: {  	_ =	shalt  }
0x43: {  	_ =	shalt  }
0x44: {  	_ =	shalt  }
0x45: {  	_ =	shalt  }
0x46: {  	_ =	shalt  }
0x47: {  	_ =	shalt  }
0x48: {  	_ =	shalt  }
0x49: {  	_ =	shalt  }
0x4a: {  	_ =	shalt  }
0x4b: {  	_ =	shalt  }
0x4c: {  	_ =	shalt  }
0x4d: {  	_ =	shalt  }
0x4e: {  	_ =	shalt  }
0x4f: {  	_ =	shalt  }
0x50: {  	_ =	shalt  }
0x51: {  	_ =	shalt  }
0x52: {  	_ =	shalt  }
0x53: {  	_ =	shalt  }
0x54: {  	_ =	shalt  }
0x55: {  	_ =	shalt  }
0x56: {  	_ =	shalt  }
0x57: {  	_ =	shalt  }
0x58: {  	_ =	shalt  }
0x59: {  	_ =	shalt  }
0x5a: {  	_ =	shalt  }
0x5b: {  	_ =	shalt  }
0x5c: {  	_ =	shalt  }
0x5d: {  	_ =	shalt  }
0x5e: {  	_ =	shalt  }
0x5f: {  	_ =	shalt  }
0x60: {  	_ =	shalt  }
0x61: {  	_ =	shalt  }
0x62: {  	_ =	shalt  }
0x63: {  	_ =	shalt  }
0x64: {  	_ =	shalt  }
0x65: {  	_ =	shalt  }
0x66: {  	_ =	shalt  }
0x67: {  	_ =	shalt  }
0x68: {  	_ =	shalt  }
0x69: {  	_ =	shalt  }
0x6a: {  	_ =	shalt  }
0x6b: {  	_ =	shalt  }
0x6c: {  	_ =	shalt  }
0x6d: {  	_ =	shalt  }
0x6e: {  	_ =	shalt  }
0x6f: {  	_ =	shalt  }
0x70: {  	_ =	shalt  }
0x71: {  	_ =	shalt  }
0x72: {  	_ =	shalt  }
0x73: {  	_ =	shalt  }
0x74: {  	_ =	shalt  }
0x75: {  	_ =	shalt  }
0x76: {  	_ =	shalt  }
0x77: {  	_ =	shalt  }
0x78: {  	_ =	shalt  }
0x79: {  	_ =	shalt  }
0x7a: {  	_ =	shalt  }
0x7b: {  	_ =	shalt  }
0x7c: {  	_ =	shalt  }
0x7d: {  	_ =	shalt  }
0x7e: {  	_ =	shalt  }
0x7f: {  	_ =	shalt  }
0x80: {  	_ =	shalt  }
0x81: {  	_ =	shalt  }
0x82: {  	_ =	shalt  }
0x83: {  	_ =	shalt  }
0x84: {  	_ =	shalt  }
0x85: {  	_ =	shalt  }
0x86: {  	_ =	shalt  }
0x87: {  	_ =	shalt  }
.Lfunc_end0:
.L_simem_size_0:
called_computation_lowered:
.L_overlay_start_0:
0x88: {  	s2 =	sld [smem:$0x3FD9]  }
0x89: {  	s3 =	sld [smem:$0x3FFE];
	_ =	sdelay $0x1  }
0x8a: {  	s1 =	srdreg.scid  }
0x8b: {  	s0 =	sand.u32 $0x1, s1  }
0x8c: {  	s16 =	sshll.u32 s0, $0xA;
	s2 =	sadd.s32 s3, s2  }
0x8d: {  	s2 =	sadd.s32 s2, s16  }
0x8e: {  	[smem:$0x3FC5] =	sst s2  }
0x8f: {  	_ = 	snop  }
0x90: {  	s4 =	sld [smem:$0x3FD0];
	_ =	sdelay $0x1  }
0x91: {  	s2 =	sld [smem:$0x3FC9]  }
0x92: {  	s5 =	simm.s32 $0xB;
	s6 =	simm.s32 $0x10;
	s17 =	sld [smem:$0x3FC8]  }
0x93: {  	[smem:s6], [sflag:s5] =	dma.local [hbm:s4], $0x1  }
0x94: {  	_ =	swait.eq [sflag:s5], $0x1  }
0x95: {  	[sflag:s5] =	ssyncset.done $0x0  }
0x96: {  	[sflag:s5] =	ssyncadd.s32 $0xFFFFFFFF  }
0x97: {  	s18 =	sld [smem:$0x10];
	(tm) =	ssettm $0x1  }
0x98: {  	s19 =	sld [smem:$0x3FFB];
	_ =	sdelay $0x3  }
0x99: {  	_ =	strace s19  }
0x9a: {  	s4 =	sld [smem:$0x3FFC];
	_ =	sdelay $0x3  }
0x9b: {  	_ =	strace s4  }
0x9c: {  	s4 =	sld [smem:$0x3FFD];
	_ =	sdelay $0x3  }
0x9d: {  	_ =	strace s4  }
0x9e: {  	_ =	strace $0x8FFFFFFF  }
0x9f: {  	s20 =	sld [smem:$0x3FDB];
	_ =	sdelay $0x1  }
0xa0: {  	s21 =	simm.s32 $_scs_section_size  }
0xa1: {  	s7 =	simm.s32 $_size__tile_overlayer_lowered;
	s8 =	simm.s32 $_tile_overlayer_lowered  }
0xa2: {  	s9 =	simm.s32 $0x1BFF;
	s22 =	sshll.u32 s8, $0x1;
	s6 =	sadd.s32 s21, s20  }
0xa3: {  	s23 =	simm.s32 $0x0;
	s7 =	sshll.u32 s7, $0x1;
	s8 =	sadd.s32 s22, s6  }
0xa4: {  	[timem:s23], [sflag:s9] =	dma.local [hbm:s8], s7  }
0xa5: {  	_ =	swait.ge [sflag:s9], s7  }
0xa6: {  	s7 =	ssub.s32 $0x0, s7;
	[sflag:s9] =	ssyncset.done $0x0  }
0xa7: {  	[sflag:s9] =	ssyncadd.s32 s7;
	_ =	sdelay $0x1  }
0xa8: {  	s24 =	simm.s32 $0x1B8B  }
0xa9: {  	_ =	swait.ge [sflag:s24], $0x1  }
0xaa: {  	[sflag:s24] =	ssyncset.done $0x0  }
0xab: {  	[sflag:s24] =	ssyncadd.s32 $0xFFFFFFFF  }
0xac: {  	s7 =	sld [smem:$0x0]  }
0xad: {  	s8 =	sand.u32 $0xFFFFFFFE, s1  }
0xae: {  	p0 =	sne.s32 s1, s8  }
0xaf: {  	s8 =	sshll.u32 @p0 s8, $0xE  }
0xb0: {  	s8 =	sadd.s32 @p0 $0x11B8D, s8;
	s9 =	sshll.u32 @p0 s7, $0x11  }
0xb1: {  	s8 =	sor.u32 @p0 s9, s8  }
0xb2: {  	[sflag:s8] =	ssyncadd.remote.s32 @p0 $0x1;
	_ =	sdelay $0x1  }
0xb3: {  	s8 =	simm.s32 @p0 $0x1B8D  }
0xb4: {  	_ =	swait.eq @p0 [sflag:s8], $0x1  }
0xb5: {  	[sflag:s8] =	ssyncadd.s32 @p0 $0xFFFFFFFF  }
0xb6: {  	s9 =	sshll.u32 @!p0 s1, $0xE  }
0xb7: {  	s9 =	sor.u32 @!p0 $0x4000, s9;
	s8 =	simm.s32 @!p0 $0x1B8D  }
0xb8: {  	s7 =	sshll.u32 @!p0 s7, $0x11;
	s9 =	sadd.s32 @!p0 $0x11B8D, s9;
	_ =	swait.eq @!p0 [sflag:s8], $0x1  }
0xb9: {  	s7 =	sor.u32 @!p0 s7, s9;
	[sflag:s8] =	ssyncadd.s32 @!p0 $0xFFFFFFFF  }
0xba: {  	s25 =	simm.s32 $0x1B8E;
	[sflag:s7] =	ssyncadd.remote.s32 @!p0 $0x1  }
0xbb: {  	s26 =	simm.s32 $execute0_lowered;
	[smem:$0x3FD2] =	sst s25  }
0xbc: {  	s7 =	sshll.u32 s26, $0x1;
	_ =	strace $0x80000049;
	[dreg:$0x1] =	wrdreg $0xFFFFFFFF  }
0xbd: {  	s28 =	simm.s32 $_size_execute0_lowered;
	s6 =	sadd.s32 s6, s7;
	[dreg:$0x0] =	wrdreg $0x0  }
0xbe: {  	s7 =	sshll.u32 s28, $0x1;
	[dreg:$0x2] =	wrdreg s6  }
0xbf: {  	[dreg:$0x3] =	wrdreg s7  }
0xc0: {  	[dreg:$0x4] =	wrdreg $0xC0  }
0xc1: {  	_ =	task [dreg:s23], $0x5FFFF  }
0xc2: {  	[dreg:$0x1] =	wrdreg $0xFFFFFFFF  }
0xc3: {  	[dreg:$0x0] =	wrdreg $0x60  }
0xc4: {  	[dreg:$0x2] =	wrdreg s2  }
0xc5: {  	[dreg:$0x3] =	wrdreg s17  }
0xc6: {  	[dreg:$0x4] =	wrdreg s18  }
0xc7: {  	[dreg:$0x5] =	wrdreg $0x9  }
0xc8: {  	_ =	task.clear_ibuf [dreg:s23], $0x6FFFF;
	_ =	strace $0x90000049  }
0xc9: {  	s29 =	simm.s32 $0x9;
	_ =	strace $0x8000004B  }
0xca: {  	_ =	swait.ge [sflag:s29], $0x1  }
0xcb: {  	[sflag:s29] =	ssyncadd.s32 $0xFFFFFFFF  }
0xcc: {  	_ =	strace $0x9000004B  }
0xcd: {  	_ =	sfence  }
0xce: {  	s30 =	sld [smem:$0x0];
	_ =	sdelay $0x2  }
0xcf: {  	s31 =	sshll.u32 s1, $0xD;
	s1 =	sshrl.u32 s1, $0x2  }
0xd0: {  	s3 =	sand.u32 $0x4000, s31;
	s1 =	sadd.s32 s1, s30  }
0xd1: {  	s0 =	sor.u32 s3, s0;
	s1 =	sshll.u32 s1, $0x11  }
0xd2: {  	s0 =	sor.u32 s1, s0  }
0xd3: {  	s0 =	sadd.s32 $0x8F2B, s0  }
0xd4: {  	[sflag:s0] =	ssyncadd.remote.s32 $0x1  }
0xd5: {  	_ =	sfence.sel $0xFFFF  }
0xd6: {  	[dreg:$0x0] =	wrdreg $0xFFFFFFFF;
	(pc) =	sbr.abs _section_cstart, $3  }
0xd7: {  	[dreg:$0x1] =	wrdreg $0xFFFFFFFF  }
0xd8: {  	_ =	task.clear_ibuf [dreg:s23], $0x2FFFF;
	_ =	strace $0x9FFFFFFF  }
0xd9: {  	(tm) =	ssettm $0x7FFFFFFF  }
tec
execute0_lowered:
.L_overlay_start_1:
0x0: {  	(tag) =	ssettag $0x1  }
0x1: {  	s0 =	srdreg.scid  }
0x2: {  	s7 =	stileid.u32;
	s17 =	rddreg [dreg:$0x0]  }
0x3: {  	s8 =	rddreg [dreg:$0x2];
	s5 =	simm.s32 $0x0;
	s0 =	sand.u32 $0x1, s0  }
0x4: {  	s1 =	sshll.u32 s7, $0x1;
	s2 =	sshrl.u32 s7, $0x3;
	[smem:$0x7FF] =	sst s5  }
0x5: {  	s21 =	sand.u32 $0x7, s7;
	s23 =	sshll.u32 s7, $0xF;
	s26 =	sshll.u32 s7, $0xC  }
0x6: {  	s29 =	sor.u32 s0, s1;
	s2 =	smul.u32 $0x9E000, s2;
	s25 =	sand.u32 $0x38000, s23  }
0x7: {  	s9 =	sshll.u32 s0, $0x9;
	_ =	strace $0x8000004A;
	[dreg:$0xa] =	wrdreg s25  }
0x8: {  	s30 =	sand.u32 $0x7000, s26;
	s3 =	sand.u32 $0xF, s29;
	[dreg:$0x5] =	wrdreg s9  }
0x9: {  	s18 =	ssub.s32 $0x2, s0;
	[dreg:$0xc] =	wrdreg s30;
	s4 =	sshrl.u32 s3, $0x1  }
0xa: {  	s22 =	sor.u32 $0x40, s29;
	[dreg:$0x4] =	wrdreg s29;
	s4 =	smul.u32 $0x13C00, s4  }
0xb: {  	s0 =	sshll.u32 s0, $0x6;
	s24 =	sor.u32 $0x60, s29;
	[dreg:$0x8] =	wrdreg s22  }
0xc: {  	s0 =	sadd.s32 s8, s0;
	[dreg:$0x9] =	wrdreg s24;
	s2 =	sadd.s32 s2, s4  }
0xd: {  	s19 =	sshrl.u32 s18, $0x1;
	[dreg:$0xd] =	wrdreg s0;
	s2 =	sor.u32 s9, s2  }
0xe: {  	s4 =	ssub.s32 s18, s19;
	s6 =	sadd.s32 $0x13C000, s2;
	s2 =	sshrl.u32 s2, $0x3  }
.Ltmp0:
0xf: {  	s31 =	smax.u32 s4, $0x1;
	s2 =	sadd.s32 s17, s2;
	(pc) =	sbr.rel .LBB2_1-.Ltmp0, $4  }
0x10: {  	s20 =	sshrl.u32 s6, $0x3;
	[dreg:$0x6] =	wrdreg s2;
	s2 =	smul.u32 $0x13C00, s21  }
0x11: {  	p0 =	sne.s32 s3, $0x0;
	[dreg:$0xe] =	wrdreg s31;
	s1 =	sadd.s32 s17, s20  }
0x12: {  	s20 =	simm.s32 $0x1000;
	[dreg:$0x7] =	wrdreg s1;
	s28 =	sor.u32 s9, s2  }
0x13: {  	s21 =	simm.s32 $0xAE00;
	s2 =	simm.s32 $0x0;
	[dreg:$0xb] =	wrdreg s28  }
.LBB2_11:
0x14: {  	s0 =	simm.s32 $0x3  }
0x15: {  	_ =	swait.ge [sflag:s0], $0x4000  }
0x16: {  	[sflag:s0] =	ssyncset.done $0x0  }
0x17: {  	s1 =	simm.s32 $0x4;
	[sflag:s0] =	ssyncadd.s32 $0xFFFFC000  }
0x18: {  	_ =	swait.ge [sflag:s1], $0x4000  }
0x19: {  	s2 =	rddreg [dreg:$0xf]  }
0x1a: {  	s31 =	rddreg [dreg:$0xe];
	s2 =	sadd.s32 $0x1, s2  }
0x1b: {  	p1 =	sne.s32 s2, s31  }
.Ltmp1:
0x1c: {  	_ = 	snop;
	(pc) =	sbr.rel @!p1 .LBB2_12-.Ltmp1, $3  }
0x1d: {  	_ =	sdelay $0x1  }
0x1e: {  	[sflag:s1] =	ssyncset.done $0x0  }
0x1f: {  	[sflag:s1] =	ssyncadd.s32 $0xFFFFC000  }
.LBB2_1:
0x20: {  	[dreg:$0xf] =	wrdreg s2  }
0x21: {  	s0 =	rddreg [dreg:$0x1];
	s1 =	simm.s32 $0x0;
	s24 =	simm.s32 $0x5  }
0x22: {  	[tilespmem:s1], [sflag:$0x5] =	stream.linear.gather [hbm4b:s0+s1], $0x1000, $0x38;
	[tilespmem:$0x1CC00] =	vst v63  }
0x23: {  	_ =	swait.ge [sflag:s24], $0x1000  }
.Ltmp2:
0x24: {  	s26 =	simm.s32 $0x200;
	[sflag:s24] =	ssyncset.done $0x0;
	(pc) =	sbr.rel .LBB2_2-.Ltmp2, $4  }
0x25: {  	s28 =	simm.s32 $0x400;
	s25 =	rddreg [dreg:$0x6];
	[sflag:s24] =	ssyncadd.s32 $0xFFFFF000  }
0x26: {  	[tilespmem:s20], [sflag:$0x1] =	stream.strided.gather [hbm4b:s25+s26], $0x9E00, s28, s26, $0x38;
	[tilespmem:$0x1CC00] =	vst v63  }
0x27: {  	s30 =	simm.s32 $0x0;
	s31 =	rddreg [dreg:$0x7]  }
0x28: {  	[tilespmem:s21], [sflag:$0x2] =	stream.strided.gather [hbm4b:s31+s26], $0x9E00, s28, s26, $0x38;
	[tilespmem:$0x1CC00] =	vst v63  }
.LBB2_10:
0x29: {  	s30 =	sadd.s32 $0x1, s30  }
0x2a: {  	p1 =	sne.s32 s30, $0x1F  }
.Ltmp3:
0x2b: {  	_ = 	snop;
	(pc) =	sbr.rel @!p1 .LBB2_11-.Ltmp3, $1  }
0x2c: {  	_ =	sdelay $0x3  }
.LBB2_2:
0x2d: {  	s31 =	sshll.u32 s30, $0x6  }
0x2e: {  	s3 =	sor.u32 s29, s31  }
0x2f: {  	p2 =	sgt.u32 s3, $0x78F  }
.Ltmp4:
0x30: {  	_ = 	snop;
	(pc) =	sbr.rel @p2 .LBB2_6-.Ltmp4, $2  }
0x31: {  	_ =	sdelay $0x2  }
0x32: {  	p1 =	seq.s32 s30, $0x0  }
0x33: {  	s0 =	simm.s32 $0x1  }
0x34: {  	_ =	swait.ge [sflag:s0], $0x9E00  }
0x35: {  	[sflag:s0] =	ssyncset.done $0x0  }
0x36: {  	[sflag:s0] =	ssyncadd.s32 $0xFFFF6200;
	s0 =	simm.s32 @!p1 $0x3  }
0x37: {  	_ =	swait.ge @!p1 [sflag:s0], $0x4000  }
0x38: {  	[sflag:s0] =	ssyncset.done @!p1 $0x0  }
0x39: {  	s23 =	simm.s32 $0x0;
	[sflag:s0] =	ssyncadd.s32 @!p1 $0xFFFFC000  }
0x3a: {  	p2 =	seq.s32 s3, $0x0;
	s2 =	simm.s32 $0x1;
	v1 =	vld [tilespmem:s23+$0x0]  }
0x3b: {  	s4 =	sshrl.u32 s3, $0x4;
	s5 =	simm.s32 $0x0;
	p2 =	por !p0, !p2  }
0x3c: {  	s29 =	simm.s32 $0x0;
	s17 =	sand.u32 $0x40, s5;
	p2 =	por !p2, !p2  }
0x3d: {  	s6 =	sand.u32 $0xF80, s5;
	s9 =	sor.u32 $0x10, s17;
	s2 =	simm.s32 @!p2 $0x0  }
0x3e: {  	p2 =	por $0x0, $0x0;
	s0 =	ssub.s32 s4, s2;
	s2 =	simm.s32 $0x1  }
0x3f: {  	s8 =	sor.u32 $0x20, s17;
	s24 =	sor.u32 s9, s6;
	s2 =	simm.s32 @!p2 $0x0;
	v2 =	vshll.u32 v1, $0x2  }
0x40: {  	s7 =	sor.u32 s8, s6;
	s4 =	sor.u32 $0x30, s17;
	s2 =	sshll.u32 s2, $0x6;
	v3 =	vand.u32 $0xFFFFFE00, v2;
	v2 =	vld [tilespmem:s24+$0x0]  }
0x41: {  	s23 =	simm.s32 $0x100;
	s25 =	sor.u32 s4, s6;
	s28 =	sadd.s32 $0x0, s2;
	v1 =	vand.u32 $0x7F, v1  }
0x42: {  	v0 =	vld [tilespmem:s7+$0x0];
	s26 =	sadd.s32 $0x10, s28;
	s16 =	sadd.s32 $0x20, s28;
	s6 =	sadd.s32 $0x30, s28;
	v1 =	vor.u32 v1, v3  }
.LBB2_4:
0x43: {  	p3 =	sne.s32 s23, $0x3F00;
	p2 =	por !p2, !p2  }
0x44: {  	v3 =	vor.u32 $0x80, v1;
	s5 =	sadd.s32 $0x40, s5;
	s19 =	smov.u32 s23;
	s12 =	simm.s32 $0x1  }
0x45: {  	s23 =	sadd.s32 $0x100, s23;
	v4 =	vor.u32 $0x100, v1;
	s12 =	simm.s32 @!p2 $0x0;
	s18 =	sand.u32 $0x40, s5;
	v5 =	vshll.u32 v2, $0x2  }
0x46: {  	v6 =	vor.u32 $0x180, v1;
	s15 =	sand.u32 $0xF80, s5;
	v2 =	vand.u32 $0x7F, v2;
	s14 =	sor.u32 $0x10, s18;
	s11 =	sor.u32 $0x20, s18;
	v5 =	vand.u32 $0xFFFFFE00, v5;
	v7 =	vld [tilespmem:s25+$0x0]  }
0x47: {  	s10 =	sor.u32 $0x30, s18;
	s2 =	sor.u32 s14, s15;
	s7 =	sor.u32 s11, s15;
	v2 =	vor.u32 v2, v5;
	v5 =	vand.u32 $0x7F, v0;
	v0 =	vshll.u32 v0, $0x2  }
0x48: {  	s12 =	sshll.u32 s12, $0x6;
	s25 =	sor.u32 s10, s15;
	v1 =	vld.idx.msk [tilespmem:v1+s20+$0x0], $0xffff;
	v8 =	vor.u32 $0x80, v2;
	v9 =	vor.u32 $0x100, v2;
	v0 =	vand.u32 $0xFFFFFE00, v0  }
0x49: {  	s1 =	sadd.s32 s12, s19;
	v10 =	vor.u32 $0x180, v2;
	v3 =	vld.idx.msk [tilespmem:v3+s20+$0x0], $0xffff;
	v0 =	vor.u32 v5, v0  }
0x4a: {  	s24 =	sadd.s32 $0x10, s1;
	s15 =	sadd.s32 $0x20, s1;
	s12 =	sadd.s32 $0x30, s1;
	v4 =	vld.idx.msk [tilespmem:v4+s20+$0x0], $0xffff;
	v5 =	vor.u32 $0x80, v0;
	v11 =	vor.u32 $0x100, v0;
	v12 =	vor.u32 $0x180, v0  }
0x4b: {  	v6 =	vld.idx.msk [tilespmem:v6+s20+$0x0], $0xffff;
	v13 =	vshll.u32 v7, $0x2  }
0x4c: {  	v7 =	vand.u32 $0x7F, v7;
	v2 =	vld.idx.msk [tilespmem:v2+s20+$0x0], $0xffff;
	v13 =	vand.u32 $0xFFFFFE00, v13  }
0x4d: {  	v9 =	vld.idx.msk [tilespmem:v9+s20+$0x0], $0xffff;
	v7 =	vor.u32 v7, v13  }
0x4e: {  	v0 =	vld.idx.msk [tilespmem:v0+s20+$0x0], $0xffff;
	v13 =	vor.u32 $0x80, v7;
	v14 =	vor.u32 $0x100, v7;
	v15 =	vor.u32 $0x180, v7  }
0x4f: {  	v10 =	vld.idx.msk [tilespmem:v10+s20+$0x0], $0xffff  }
0x50: {  	v8 =	vld.idx.msk [tilespmem:v8+s20+$0x0], $0xffff  }
0x51: {  	s22 =	sshra.s32 s19, $0x2;
	v12 =	vld.idx.msk [tilespmem:v12+s20+$0x0], $0xffff  }
0x52: {  	v7 =	vld.idx.msk [tilespmem:v7+s20+$0x0], $0xffff  }
0x53: {  	v11 =	vld.idx.msk [tilespmem:v11+s20+$0x0], $0xffff  }
0x54: {  	v15 =	vld.idx.msk [tilespmem:v15+s20+$0x0], $0xffff  }
0x55: {  	s13 =	sand.u32 $0x3E00, s29;
	s29 =	smov.u32 s19;
	v5 =	vld.idx.msk [tilespmem:v5+s20+$0x0], $0xffff  }
0x56: {  	s13 =	sadd.s32 $0x14C00, s13;
	v14 =	vld.idx.msk [tilespmem:v14+s20+$0x0], $0xffff  }
0x57: {  	s19 =	sor.u32 s17, s13;
	s17 =	smov.u32 s18;
	v13 =	vld.idx.msk [tilespmem:v13+s20+$0x0], $0xffff  }
0x58: {  	[tilespmem:s19+$0x0] =	vst v1  }
0x59: {  	s18 =	sor.u32 $0x100, s28;
	[tilespmem:s19+$0x80] =	vst v3  }
0x5a: {  	[tilespmem:s18+$0x14C00] =	vst v4;
	s18 =	sor.u32 $0x180, s28;
	s28 =	smov.u32 s1  }
0x5b: {  	s1 =	sor.u32 s9, s13;
	s9 =	smov.u32 s14;
	[tilespmem:s18+$0x14C00] =	vst v6  }
0x5c: {  	[tilespmem:s1+$0x0] =	vst v2  }
0x5d: {  	[tilespmem:s1+$0x80] =	vst v8;
	s1 =	sor.u32 $0x100, s26  }
0x5e: {  	[tilespmem:s1+$0x14C00] =	vst v9;
	s1 =	sor.u32 $0x180, s26;
	s26 =	smov.u32 s24  }
0x5f: {  	[tilespmem:s1+$0x14C00] =	vst v10;
	s1 =	sor.u32 s8, s13;
	s8 =	smov.u32 s11  }
0x60: {  	[tilespmem:s1+$0x0] =	vst v0  }
0x61: {  	[tilespmem:s1+$0x80] =	vst v5;
	s1 =	sor.u32 $0x100, s16  }
0x62: {  	[tilespmem:s1+$0x14C00] =	vst v11;
	s1 =	sor.u32 $0x180, s16;
	s16 =	smov.u32 s15  }
0x63: {  	[tilespmem:s1+$0x14C00] =	vst v12;
	s1 =	sor.u32 s4, s13;
	s4 =	smov.u32 s10  }
0x64: {  	s10 =	sor.u32 $0x100, s6;
	[tilespmem:s1+$0x0] =	vst v7  }
0x65: {  	[tilespmem:s1+$0x80] =	vst v13;
	s1 =	sor.u32 $0x180, s6;
	s6 =	smov.u32 s12  }
0x66: {  	[tilespmem:s10+$0x14C00] =	vst v14  }
0x67: {  	[tilespmem:s1+$0x14C00] =	vst v15  }
0x68: {  	v1 =	vld [tilespmem:s22+$0x0];
	_ =	sdelay $0x2  }
.Ltmp5:
0x69: {  	v0 =	vld [tilespmem:s7+$0x0];
	(pc) =	sbr.rel @p3 .LBB2_4-.Ltmp5, $4  }
0x6a: {  	v2 =	vld [tilespmem:s2+$0x0]  }
0x6b: {  	v3 =	vshll.u32 v1, $0x2  }
0x6c: {  	v1 =	vand.u32 $0x7F, v1;
	v3 =	vand.u32 $0xFFFFFE00, v3  }
0x6d: {  	v1 =	vor.u32 v1, v3  }
0x6e: {  	v3 =	vor.u32 $0x80, v1  }
0x6f: {  	v4 =	vor.u32 $0x100, v1;
	v5 =	vshll.u32 v2, $0x2  }
0x70: {  	v6 =	vor.u32 $0x180, v1;
	v58 =	vand.u32 $0x7F, v2;
	v5 =	vand.u32 $0xFFFFFE00, v5  }
0x71: {  	v7 =	vld [tilespmem:s25+$0x0];
	v59 =	vshll.u32 v0, $0x2;
	v2 =	vor.u32 v58, v5  }
0x72: {  	v60 =	vand.u32 $0x7F, v0;
	v61 =	vld.idx.msk [tilespmem:v1+s20+$0x0], $0xffff;
	v5 =	vand.u32 $0xFFFFFE00, v59;
	v8 =	vor.u32 $0x100, v2  }
0x73: {  	v0 =	vor.u32 v60, v5;
	v3 =	vld.idx.msk [tilespmem:v3+s20+$0x0], $0xffff  }
0x74: {  	v62 =	vor.u32 $0x180, v2;
	v4 =	vld.idx.msk [tilespmem:v4+s20+$0x0], $0xffff  }
0x75: {  	v9 =	vor.u32 $0x80, v2;
	v6 =	vld.idx.msk [tilespmem:v6+s20+$0x0], $0xffff  }
0x76: {  	v10 =	vshll.u32 v7, $0x2;
	v11 =	vor.u32 $0x180, v0;
	v2 =	vld.idx.msk [tilespmem:v2+s20+$0x0], $0xffff  }
0x77: {  	v7 =	vand.u32 $0x7F, v7;
	v63 =	vor.u32 $0x100, v0;
	v10 =	vand.u32 $0xFFFFFE00, v10;
	v8 =	vld.idx.msk [tilespmem:v8+s20+$0x0], $0xffff  }
0x78: {  	v7 =	vor.u32 v7, v10;
	v12 =	vld.idx.msk [tilespmem:v0+s20+$0x0], $0xffff  }
0x79: {  	v13 =	vor.u32 $0x180, v7;
	v5 =	vld.idx.msk [tilespmem:v62+s20+$0x0], $0xffff  }
0x7a: {  	v14 =	vor.u32 $0x100, v7;
	v9 =	vld.idx.msk [tilespmem:v9+s20+$0x0], $0xffff  }
0x7b: {  	v15 =	vor.u32 $0x80, v7;
	v11 =	vld.idx.msk [tilespmem:v11+s20+$0x0], $0xffff  }
0x7c: {  	v0 =	vor.u32 $0x80, v0;
	v10 =	vld.idx.msk [tilespmem:v63+s20+$0x0], $0xffff  }
0x7d: {  	v7 =	vld.idx.msk [tilespmem:v7+s20+$0x0], $0xffff  }
0x7e: {  	s1 =	sand.u32 $0x3E00, s29;
	v13 =	vld.idx.msk [tilespmem:v13+s20+$0x0], $0xffff  }
0x7f: {  	s1 =	sadd.s32 $0x14C00, s1;
	v14 =	vld.idx.msk [tilespmem:v14+s20+$0x0], $0xffff  }
0x80: {  	s2 =	sor.u32 s17, s1;
	v15 =	vld.idx.msk [tilespmem:v15+s20+$0x0], $0xffff  }
0x81: {  	v0 =	vld.idx.msk [tilespmem:v0+s20+$0x0], $0xffff;
	[tilespmem:s2+$0x0] =	vst v61  }
0x82: {  	s7 =	sor.u32 $0x100, s28;
	[tilespmem:s2+$0x80] =	vst v3  }
0x83: {  	s10 =	sor.u32 $0x180, s28;
	[tilespmem:s7+$0x14C00] =	vst v4  }
0x84: {  	s11 =	sor.u32 s9, s1;
	[tilespmem:s10+$0x14C00] =	vst v6  }
0x85: {  	[tilespmem:s11+$0x0] =	vst v2  }
0x86: {  	s12 =	sor.u32 $0x100, s26;
	[tilespmem:s11+$0x80] =	vst v9  }
0x87: {  	s13 =	sor.u32 $0x180, s26;
	[tilespmem:s12+$0x14C00] =	vst v8  }
0x88: {  	s14 =	sor.u32 s8, s1;
	[tilespmem:s13+$0x14C00] =	vst v5  }
0x89: {  	[tilespmem:s14+$0x0] =	vst v12  }
0x8a: {  	s15 =	sor.u32 $0x100, s16;
	s0 =	sshll.u32 s0, $0x12;
	s18 =	rddreg [dreg:$0xa];
	[tilespmem:s14+$0x80] =	vst v0  }
0x8b: {  	s19 =	rddreg [dreg:$0x8];
	s22 =	sor.u32 $0x100, s6;
	s17 =	sor.u32 $0x180, s16;
	[tilespmem:s15+$0x14C00] =	vst v10  }
0x8c: {  	s23 =	rddreg [dreg:$0x5];
	s24 =	sor.u32 $0x180, s6;
	s1 =	sor.u32 s4, s1;
	[tilespmem:s17+$0x14C00] =	vst v11  }
0x8d: {  	s25 =	rddreg [dreg:$0x2];
	s0 =	sor.u32 s0, s18;
	s2 =	sadd.s32 s19, s31;
	[tilespmem:s1+$0x0] =	vst v7  }
0x8e: {  	s26 =	simm.s32 $0x200;
	s0 =	sor.u32 s23, s0;
	p2 =	sgt.u32 s2, $0x78F;
	[tilespmem:s1+$0x80] =	vst v15  }
0x8f: {  	s28 =	simm.s32 $0x400;
	s0 =	sshrl.u32 s0, $0x3;
	s2 =	sshrl.u32 @!p2 s2, $0x4;
	[tilespmem:s22+$0x14C00] =	vst v14  }
0x90: {  	s5 =	simm.s32 $0x14C00;
	s0 =	sadd.s32 s25, s0;
	s1 =	smul.u32 @!p2 $0x9E000, s2;
	[tilespmem:s24+$0x14C00] =	vst v13  }
0x91: {  	[hbm4b:s0+s26] =	stream.strided.scatter [tilespmem:s5], [sflag:$0x3], $0x4000, s28, s26, $0x38;
	[tilespmem:$0x1CC00] =	vst v63  }
0x92: {  	s0 =	rddreg [dreg:$0xb]  }
0x93: {  	s29 =	rddreg [dreg:$0x4];
	s0 =	sadd.s32 @!p2 s0, s1  }
0x94: {  	s4 =	simm.s32 @!p2 $0x1000;
	s1 =	rddreg [dreg:$0x0];
	s0 =	sshrl.u32 @!p2 s0, $0x3  }
0x95: {  	s2 =	simm.s32 @!p2 $0x400;
	s0 =	sadd.s32 @!p2 s1, s0;
	s1 =	simm.s32 @!p2 $0x200  }
0x96: {  	[tilespmem:s4], [sflag:$0x1] =	stream.strided.gather @!p2 [hbm4b:s0+s1], $0x9E00, s2, s1, $0x38;
	[tilespmem:$0x1CC00] =	vst v63  }
.LBB2_6:
0x97: {  	s3 =	sor.u32 $0x20, s3  }
0x98: {  	p2 =	sgt.u32 s3, $0x78F  }
.Ltmp6:
0x99: {  	_ = 	snop;
	(pc) =	sbr.rel @p2 .LBB2_10-.Ltmp6, $1  }
0x9a: {  	_ =	sdelay $0x3  }
0x9b: {  	s0 =	simm.s32 $0x2  }
0x9c: {  	_ =	swait.ge [sflag:s0], $0x9E00  }
0x9d: {  	[sflag:s0] =	ssyncset.done $0x0  }
0x9e: {  	[sflag:s0] =	ssyncadd.s32 $0xFFFF6200;
	s0 =	simm.s32 @!p1 $0x4  }
0x9f: {  	_ =	swait.ge @!p1 [sflag:s0], $0x4000  }
0xa0: {  	[sflag:s0] =	ssyncset.done @!p1 $0x0  }
0xa1: {  	s23 =	simm.s32 $0x0;
	[sflag:s0] =	ssyncadd.s32 @!p1 $0xFFFFC000  }
0xa2: {  	v1 =	vld [tilespmem:s23+$0x0];
	_ =	sdelay $0x1  }
0xa3: {  	s5 =	simm.s32 $0x0  }
0xa4: {  	s28 =	simm.s32 $0x0;
	s16 =	sand.u32 $0x40, s5;
	s1 =	sand.u32 $0xF80, s5  }
0xa5: {  	s8 =	sor.u32 $0x10, s16;
	p1 =	por $0x0, $0x0;
	s0 =	simm.s32 $0x1  }
0xa6: {  	s6 =	sor.u32 $0x20, s16;
	s24 =	sor.u32 s8, s1;
	s0 =	simm.s32 @!p1 $0x0;
	v2 =	vshll.u32 v1, $0x2  }
0xa7: {  	s4 =	sor.u32 s6, s1;
	s2 =	sshll.u32 s0, $0x6;
	s0 =	sor.u32 $0x30, s16;
	v3 =	vand.u32 $0xFFFFFE00, v2;
	v2 =	vld [tilespmem:s24+$0x0]  }
0xa8: {  	s23 =	simm.s32 $0x100;
	s26 =	sadd.s32 $0x0, s2;
	s25 =	sor.u32 s0, s1;
	v1 =	vand.u32 $0x7F, v1  }
0xa9: {  	v0 =	vld [tilespmem:s4+$0x0];
	s17 =	sadd.s32 $0x10, s26;
	s9 =	sadd.s32 $0x20, s26;
	s4 =	sadd.s32 $0x30, s26;
	v1 =	vor.u32 v1, v3  }
.LBB2_8:
0xaa: {  	p2 =	sne.s32 s23, $0x3F00;
	p1 =	por !p1, !p1  }
0xab: {  	v3 =	vor.u32 $0x80, v1;
	s5 =	sadd.s32 $0x40, s5;
	s19 =	smov.u32 s23;
	s1 =	simm.s32 $0x1  }
0xac: {  	s23 =	sadd.s32 $0x100, s23;
	v4 =	vor.u32 $0x100, v1;
	s1 =	simm.s32 @!p1 $0x0;
	s18 =	sand.u32 $0x40, s5;
	v5 =	vshll.u32 v2, $0x2  }
0xad: {  	v6 =	vor.u32 $0x180, v1;
	s12 =	sand.u32 $0xF80, s5;
	v2 =	vand.u32 $0x7F, v2;
	s14 =	sor.u32 $0x10, s18;
	s11 =	sor.u32 $0x20, s18;
	v5 =	vand.u32 $0xFFFFFE00, v5;
	v7 =	vld [tilespmem:s25+$0x0]  }
0xae: {  	s10 =	sor.u32 $0x30, s18;
	s2 =	sor.u32 s14, s12;
	s7 =	sor.u32 s11, s12;
	v2 =	vor.u32 v2, v5;
	v5 =	vand.u32 $0x7F, v0;
	v0 =	vshll.u32 v0, $0x2  }
0xaf: {  	s1 =	sshll.u32 s1, $0x6;
	s25 =	sor.u32 s10, s12;
	v1 =	vld.idx.msk [tilespmem:v1+s21+$0x0], $0xffff;
	v8 =	vor.u32 $0x80, v2;
	v9 =	vor.u32 $0x100, v2;
	v0 =	vand.u32 $0xFFFFFE00, v0  }
0xb0: {  	s1 =	sadd.s32 s1, s19;
	v10 =	vor.u32 $0x180, v2;
	v3 =	vld.idx.msk [tilespmem:v3+s21+$0x0], $0xffff;
	v0 =	vor.u32 v5, v0  }
0xb1: {  	s24 =	sadd.s32 $0x10, s1;
	s15 =	sadd.s32 $0x20, s1;
	s12 =	sadd.s32 $0x30, s1;
	v4 =	vld.idx.msk [tilespmem:v4+s21+$0x0], $0xffff;
	v5 =	vor.u32 $0x80, v0;
	v11 =	vor.u32 $0x100, v0;
	v12 =	vor.u32 $0x180, v0  }
0xb2: {  	v6 =	vld.idx.msk [tilespmem:v6+s21+$0x0], $0xffff;
	v13 =	vshll.u32 v7, $0x2  }
0xb3: {  	v7 =	vand.u32 $0x7F, v7;
	v2 =	vld.idx.msk [tilespmem:v2+s21+$0x0], $0xffff;
	v13 =	vand.u32 $0xFFFFFE00, v13  }
0xb4: {  	v9 =	vld.idx.msk [tilespmem:v9+s21+$0x0], $0xffff;
	v7 =	vor.u32 v7, v13  }
0xb5: {  	v0 =	vld.idx.msk [tilespmem:v0+s21+$0x0], $0xffff;
	v13 =	vor.u32 $0x80, v7;
	v14 =	vor.u32 $0x100, v7;
	v15 =	vor.u32 $0x180, v7  }
0xb6: {  	v10 =	vld.idx.msk [tilespmem:v10+s21+$0x0], $0xffff  }
0xb7: {  	v8 =	vld.idx.msk [tilespmem:v8+s21+$0x0], $0xffff  }
0xb8: {  	s22 =	sshra.s32 s19, $0x2;
	v12 =	vld.idx.msk [tilespmem:v12+s21+$0x0], $0xffff  }
0xb9: {  	v7 =	vld.idx.msk [tilespmem:v7+s21+$0x0], $0xffff  }
0xba: {  	v11 =	vld.idx.msk [tilespmem:v11+s21+$0x0], $0xffff  }
0xbb: {  	v15 =	vld.idx.msk [tilespmem:v15+s21+$0x0], $0xffff  }
0xbc: {  	s13 =	sand.u32 $0x3E00, s28;
	s28 =	smov.u32 s19;
	v5 =	vld.idx.msk [tilespmem:v5+s21+$0x0], $0xffff  }
0xbd: {  	s13 =	sadd.s32 $0x18C00, s13;
	v14 =	vld.idx.msk [tilespmem:v14+s21+$0x0], $0xffff  }
0xbe: {  	s19 =	sor.u32 s16, s13;
	s16 =	smov.u32 s18;
	v13 =	vld.idx.msk [tilespmem:v13+s21+$0x0], $0xffff  }
0xbf: {  	[tilespmem:s19+$0x0] =	vst v1  }
0xc0: {  	s18 =	sor.u32 $0x100, s26;
	[tilespmem:s19+$0x80] =	vst v3  }
0xc1: {  	[tilespmem:s18+$0x18C00] =	vst v4;
	s18 =	sor.u32 $0x180, s26;
	s26 =	smov.u32 s1  }
0xc2: {  	s1 =	sor.u32 s8, s13;
	s8 =	smov.u32 s14;
	[tilespmem:s18+$0x18C00] =	vst v6  }
0xc3: {  	[tilespmem:s1+$0x0] =	vst v2  }
0xc4: {  	[tilespmem:s1+$0x80] =	vst v8;
	s1 =	sor.u32 $0x100, s17  }
0xc5: {  	[tilespmem:s1+$0x18C00] =	vst v9;
	s1 =	sor.u32 $0x180, s17;
	s17 =	smov.u32 s24  }
0xc6: {  	[tilespmem:s1+$0x18C00] =	vst v10;
	s1 =	sor.u32 s6, s13;
	s6 =	smov.u32 s11  }
0xc7: {  	[tilespmem:s1+$0x0] =	vst v0  }
0xc8: {  	[tilespmem:s1+$0x80] =	vst v5;
	s1 =	sor.u32 $0x100, s9  }
0xc9: {  	[tilespmem:s1+$0x18C00] =	vst v11;
	s1 =	sor.u32 $0x180, s9;
	s9 =	smov.u32 s15  }
0xca: {  	[tilespmem:s1+$0x18C00] =	vst v12;
	s1 =	sor.u32 s0, s13;
	s0 =	smov.u32 s10  }
0xcb: {  	s10 =	sor.u32 $0x100, s4;
	[tilespmem:s1+$0x0] =	vst v7  }
0xcc: {  	[tilespmem:s1+$0x80] =	vst v13;
	s1 =	sor.u32 $0x180, s4;
	s4 =	smov.u32 s12  }
0xcd: {  	[tilespmem:s10+$0x18C00] =	vst v14  }
0xce: {  	[tilespmem:s1+$0x18C00] =	vst v15  }
0xcf: {  	v1 =	vld [tilespmem:s22+$0x0];
	_ =	sdelay $0x2  }
.Ltmp7:
0xd0: {  	v0 =	vld [tilespmem:s7+$0x0];
	(pc) =	sbr.rel @p2 .LBB2_8-.Ltmp7, $4  }
0xd1: {  	v2 =	vld [tilespmem:s2+$0x0]  }
0xd2: {  	v3 =	vshll.u32 v1, $0x2  }
0xd3: {  	v1 =	vand.u32 $0x7F, v1;
	v3 =	vand.u32 $0xFFFFFE00, v3  }
0xd4: {  	v1 =	vor.u32 v1, v3  }
0xd5: {  	v3 =	vor.u32 $0x80, v1  }
0xd6: {  	v4 =	vor.u32 $0x100, v1;
	v5 =	vshll.u32 v2, $0x2  }
0xd7: {  	v6 =	vor.u32 $0x180, v1;
	v58 =	vand.u32 $0x7F, v2;
	v5 =	vand.u32 $0xFFFFFE00, v5  }
0xd8: {  	v7 =	vld [tilespmem:s25+$0x0];
	v59 =	vshll.u32 v0, $0x2;
	v2 =	vor.u32 v58, v5  }
0xd9: {  	v60 =	vand.u32 $0x7F, v0;
	v61 =	vld.idx.msk [tilespmem:v1+s21+$0x0], $0xffff;
	v5 =	vand.u32 $0xFFFFFE00, v59;
	v8 =	vor.u32 $0x100, v2  }
0xda: {  	v0 =	vor.u32 v60, v5;
	v3 =	vld.idx.msk [tilespmem:v3+s21+$0x0], $0xffff  }
0xdb: {  	v62 =	vor.u32 $0x180, v2;
	v4 =	vld.idx.msk [tilespmem:v4+s21+$0x0], $0xffff  }
0xdc: {  	v9 =	vor.u32 $0x80, v2;
	v6 =	vld.idx.msk [tilespmem:v6+s21+$0x0], $0xffff  }
0xdd: {  	v10 =	vshll.u32 v7, $0x2;
	v11 =	vor.u32 $0x180, v0;
	v2 =	vld.idx.msk [tilespmem:v2+s21+$0x0], $0xffff  }
0xde: {  	v7 =	vand.u32 $0x7F, v7;
	v63 =	vor.u32 $0x100, v0;
	v10 =	vand.u32 $0xFFFFFE00, v10;
	v8 =	vld.idx.msk [tilespmem:v8+s21+$0x0], $0xffff  }
0xdf: {  	v7 =	vor.u32 v7, v10;
	v12 =	vld.idx.msk [tilespmem:v0+s21+$0x0], $0xffff  }
0xe0: {  	v13 =	vor.u32 $0x180, v7;
	v5 =	vld.idx.msk [tilespmem:v62+s21+$0x0], $0xffff  }
0xe1: {  	v14 =	vor.u32 $0x100, v7;
	v9 =	vld.idx.msk [tilespmem:v9+s21+$0x0], $0xffff  }
0xe2: {  	v15 =	vor.u32 $0x80, v7;
	v11 =	vld.idx.msk [tilespmem:v11+s21+$0x0], $0xffff  }
0xe3: {  	v0 =	vor.u32 $0x80, v0;
	v10 =	vld.idx.msk [tilespmem:v63+s21+$0x0], $0xffff  }
0xe4: {  	v7 =	vld.idx.msk [tilespmem:v7+s21+$0x0], $0xffff  }
0xe5: {  	s1 =	sand.u32 $0x3E00, s28;
	v13 =	vld.idx.msk [tilespmem:v13+s21+$0x0], $0xffff  }
0xe6: {  	s1 =	sadd.s32 $0x18C00, s1;
	v14 =	vld.idx.msk [tilespmem:v14+s21+$0x0], $0xffff  }
0xe7: {  	s2 =	sor.u32 s16, s1;
	v15 =	vld.idx.msk [tilespmem:v15+s21+$0x0], $0xffff  }
0xe8: {  	v0 =	vld.idx.msk [tilespmem:v0+s21+$0x0], $0xffff;
	[tilespmem:s2+$0x0] =	vst v61  }
0xe9: {  	s7 =	sor.u32 $0x100, s26;
	[tilespmem:s2+$0x80] =	vst v3  }
0xea: {  	s10 =	sor.u32 $0x180, s26;
	[tilespmem:s7+$0x18C00] =	vst v4  }
0xeb: {  	s11 =	sor.u32 s8, s1;
	[tilespmem:s10+$0x18C00] =	vst v6  }
0xec: {  	[tilespmem:s11+$0x0] =	vst v2  }
0xed: {  	s12 =	sor.u32 $0x100, s17;
	[tilespmem:s11+$0x80] =	vst v9  }
0xee: {  	s13 =	sor.u32 $0x180, s17;
	[tilespmem:s12+$0x18C00] =	vst v8  }
0xef: {  	s14 =	sor.u32 s6, s1;
	[tilespmem:s13+$0x18C00] =	vst v5  }
0xf0: {  	[tilespmem:s14+$0x0] =	vst v12  }
0xf1: {  	s15 =	sor.u32 $0x100, s9;
	[tilespmem:s14+$0x80] =	vst v0  }
0xf2: {  	s17 =	sshll.u32 s3, $0xB;
	s18 =	rddreg [dreg:$0x9];
	s16 =	sor.u32 $0x180, s9;
	[tilespmem:s15+$0x18C00] =	vst v10  }
0xf3: {  	s19 =	sor.u32 $0x100, s4;
	s24 =	rddreg [dreg:$0xc];
	s0 =	sor.u32 s0, s1;
	[tilespmem:s16+$0x18C00] =	vst v11  }
0xf4: {  	s23 =	sor.u32 $0x180, s4;
	s25 =	rddreg [dreg:$0xd];
	s2 =	sadd.s32 s18, s31;
	[tilespmem:s0+$0x0] =	vst v7  }
0xf5: {  	s26 =	simm.s32 $0x200;
	s22 =	sand.u32 $0x3F8000, s17;
	p1 =	sgt.u32 s2, $0x78F;
	[tilespmem:s0+$0x80] =	vst v15  }
0xf6: {  	s28 =	simm.s32 $0x400;
	s2 =	sshrl.u32 @!p1 s2, $0x4;
	s0 =	sor.u32 s22, s24;
	[tilespmem:s19+$0x18C00] =	vst v14  }
0xf7: {  	s31 =	simm.s32 $0x18C00;
	s1 =	smul.u32 @!p1 $0x9E000, s2;
	s0 =	sadd.s32 s0, s25;
	[tilespmem:s23+$0x18C00] =	vst v13  }
0xf8: {  	[hbm4b:s0+s26] =	stream.strided.scatter [tilespmem:s31], [sflag:$0x4], $0x4000, s28, s26, $0x38;
	[tilespmem:$0x1CC00] =	vst v63  }
.Ltmp8:
0xf9: {  	s0 =	rddreg [dreg:$0xb];
	(pc) =	sbr.rel .LBB2_10-.Ltmp8, $4  }
0xfa: {  	s0 =	sadd.s32 @!p1 s0, s1  }
0xfb: {  	s3 =	simm.s32 @!p1 $0xAE00;
	s1 =	rddreg [dreg:$0x0];
	s0 =	sshrl.u32 @!p1 s0, $0x3  }
0xfc: {  	s2 =	simm.s32 @!p1 $0x400;
	s0 =	sadd.s32 @!p1 s1, s0;
	s1 =	simm.s32 @!p1 $0x200  }
0xfd: {  	[tilespmem:s3], [sflag:$0x2] =	stream.strided.gather @!p1 [hbm4b:s0+s1], $0x9E00, s2, s1, $0x38;
	[tilespmem:$0x1CC00] =	vst v63  }
.LBB2_12:
0xfe: {  	_ =	sfence.sel $0x180000  }
0xff: {  	[bflag:$0x0] =	sbarrier.arrive $0xFFFF  }
0x100: {  	_ =	strace $0x9000004A  }
0x101: {  	s0 =	stileid.u32;
	[bflag:$0x2] =	sbarrier.arrive $0xFFFF  }
0x102: {  	p0 =	sne.s32 s0, $0x0;
	s0 =	rddreg [dreg:$0x3]  }
0x103: {  	s0 =	sadd.s32 @!p0 $0x100000, s0  }
0x104: {  	[sflag:s0] =	ssyncadd.tile.s32 @!p0 $0x1;
	_ =	shalt  }
.Lfunc_end2:
_tile_overlayer_lowered:
.L_overlay_start_2:
0x105: {  	(tag) =	ssettag $0x2  }
0x106: {  	s0 =	rddreg [dreg:$0x0];
	s2 =	stileid.u32  }
0x107: {  	s1 =	rddreg [dreg:$0x1];
	p0 =	sne.s32 s2, $0x0  }
0x108: {  	s3 =	rddreg [dreg:$0x2];
	[bflag:$0x3] =	sbarrier.arrive $0xFFFF;
	s2 =	simm.s32 @!p0 $0x1C05  }
0x109: {  	[timem:s3], [sflag:s2] =	dma.local @!p0 [hbm:s0], s1  }
0x10a: {  	s0 =	simm.s32 @!p0 $0x5  }
0x10b: {  	_ =	swait.ge @!p0 [sflag:s0], s1  }
0x10c: {  	s1 =	ssub.s32 @!p0 $0x0, s1;
	[sflag:s0] =	ssyncset.done @!p0 $0x0  }
0x10d: {  	[sflag:s0] =	ssyncadd.s32 @!p0 s1  }
0x10e: {  	[bflag:$0x3] =	sbarrier.arrive $0xFFFF  }
0x10f: {  	_ =	shalt  }

// kernel: _run.7.cloned.1.call-start
scs
__scs_entry_jumppad:
0x0: {  	(pc) =	sbr.rel $0x88, $3  }
0x1: {  	(tag) =	ssettag $0x0;
	lr =	simm.s32 $0x1  }
0x2: {  	[smem:$0x3F9E] =	sst lr;
	_ =	strace $0xD0000000  }
0x3: {  	_ = 	snop  }
0x4: {  	_ = 	snop  }
0x5: {  	_ = 	snop  }
0x6: {  	_ = 	snop  }
0x7: {  	_ = 	snop  }
__scs_overlays_trampoline_lowered:
0x8: {  	[smem:$0x3FAD] =	sst s0  }
0x9: {  	[smem:$0x3FAE] =	sst s1  }
0xa: {  	[smem:$0x3FAF] =	sst s2  }
0xb: {  	[smem:$0x3FB0] =	sst s3  }
0xc: {  	[smem:$0x3FB1] =	sst s4  }
0xd: {  	[smem:$0x3FB2] =	sst s5  }
0xe: {  	[smem:$0x3FB3] =	sst s6  }
0xf: {  	[smem:$0x3FB4] =	sst s7  }
0x10: {  	[smem:$0x3FB5] =	sst s8  }
0x11: {  	[smem:$0x3FB6] =	sst s9;
	s0 =	simm.s32 @!p0 $0x0  }
0x12: {  	s1 =	sld [smem:$0x3F9C];
	s0 =	simm.s32 @p0 $0x1  }
0x13: {  	[smem:$0x3FB7] =	sst s0;
	s0 =	simm.s32 @!p1 $0x0  }
0x14: {  	s2 =	sld [smem:$0x3F9B];
	s0 =	simm.s32 @p1 $0x1  }
0x15: {  	[smem:$0x3FB8] =	sst s0;
	s0 =	simm.s32 @!p2 $0x0  }
0x16: {  	s3 =	sld [smem:$0x3FDB];
	s0 =	simm.s32 @p2 $0x1  }
0x17: {  	s4 =	simm.s32 $0x1BF5;
	[smem:$0x3FBA] =	sst s0  }
0x18: {  	s0 =	sld [smem:$0x3F9D];
	_ =	swait.ge [sflag:s4], $0x0  }
0x19: {  	s7 =	sld [smem:$0x3F9E]  }
0x1a: {  	s8 =	sadd.s32 $0xFFFFE003, lr  }
0x1b: {  	s9 =	sadd.s32 $0xFFFFFEF7, lr;
	s5 =	simm.s32 $0xFFFFFFFF;
	p2 =	slt.u32 s8, $0xFFFFF086  }
0x1c: {  	p1 =	slt.u32 s9, $0xF7A;
	s5 =	simm.s32 @!p2 $0x0  }
0x1d: {  	s5 =	simm.s32 @p1 $0x1;
	p0 =	seq.s32 s7, s2  }
0x1e: {  	s7 =	smul.u32 @!p0 $0xF7A, s2;
	p2 =	seq.s32 @!p0 s5, $0x0  }
0x1f: {  	s9 =	smul.u32 $0xF7A, s1;
	s8 =	simm.s32 @!p0 $0x1BF5;
	p2 =	por !p2, p0  }
0x20: {  	[sflag:s8] =	ssyncset.s32 @!p0 $0xFFFFF086;
	s6 =	sadd.s32 @!p0 s3, s7;
	s7 =	simm.s32 @!p0 $0x108  }
0x21: {  	s3 =	sadd.s32 s3, s9;
	s6 =	sadd.s32 @!p0 $0x88, s6;
	s7 =	simm.s32 @p2 $0x1082  }
0x22: {  	[simem:s7], [sflag:s8] =	dma.local @!p0 [hbm:s6], $0xF7A  }
0x23: {  	s9 =	sor.u32 $0xD0000000, s2;
	s6 =	simm.s32 $0x108;
	_ =	swait.ge @!p0 [sflag:s8], $0x0  }
0x24: {  	s3 =	sadd.s32 $0x88, s3;
	s6 =	simm.s32 @!p1 $0x1082;
	[sflag:s4] =	ssyncset.s32 $0xFFFFF086  }
0x25: {  	[simem:s6], [sflag:s4] =	dma.local [hbm:s3], $0xF7A  }
0x26: {  	[smem:$0x3F9E] =	sst s1;
	(tag) =	ssettag s2;
	_ =	strace s9  }
0x27: {  	s1 =	sld [smem:$0x3FAE]  }
0x28: {  	s2 =	sld [smem:$0x3FAF]  }
0x29: {  	s4 =	sld [smem:$0x3FB1]  }
0x2a: {  	p0 =	seq.s32 s5, $0x0;
	s5 =	sld [smem:$0x3FB2]  }
0x2b: {  	s6 =	sld [smem:$0x3FB3]  }
0x2c: {  	s7 =	sld [smem:$0x3FB4]  }
0x2d: {  	s3 =	simm.s32 $0x108;
	s8 =	sld [smem:$0x3FB5]  }
0x2e: {  	s3 =	simm.s32 @!p0 $0x1082;
	s9 =	sld [smem:$0x3FB6]  }
0x2f: {  	lr =	sadd.s32 s0, s3;
	s0 =	sld [smem:$0x3FAD]  }
0x30: {  	s3 =	sld [smem:$0x3FB0]  }
0x31: {  	[smem:$0x3FB9] =	sst s10  }
0x32: {  	s10 =	sld [smem:$0x3FB7];
	_ =	sdelay $0x3  }
0x33: {  	p0 =	seq.s32 s10, $0x1;
	s10 =	sld [smem:$0x3FB9];
	_ =	sdelay $0x3  }
0x34: {  	[smem:$0x3FB9] =	sst s10  }
0x35: {  	s10 =	sld [smem:$0x3FB8];
	_ =	sdelay $0x3  }
0x36: {  	p1 =	seq.s32 s10, $0x1;
	s10 =	sld [smem:$0x3FB9];
	_ =	sdelay $0x3  }
0x37: {  	[smem:$0x3FB9] =	sst s10  }
0x38: {  	s10 =	sld [smem:$0x3FBA]  }
0x39: {  	_ = 	snop;
	(pc) =	sbr.ind lr, $3  }
0x3a: {  	_ = 	snop  }
0x3b: {  	_ = 	snop  }
0x3c: {  	p2 =	seq.s32 s10, $0x1;
	s10 =	sld [smem:$0x3FB9]  }
0x3d: {  	_ =	shalt  }
0x3e: {  	_ =	shalt  }
0x3f: {  	_ =	shalt  }
0x40: {  	_ =	shalt  }
0x41: {  	_ =	shalt  }
0x42: {  	_ =	shalt  }
0x43: {  	_ =	shalt  }
0x44: {  	_ =	shalt  }
0x45: {  	_ =	shalt  }
0x46: {  	_ =	shalt  }
0x47: {  	_ =	shalt  }
0x48: {  	_ =	shalt  }
0x49: {  	_ =	shalt  }
0x4a: {  	_ =	shalt  }
0x4b: {  	_ =	shalt  }
0x4c: {  	_ =	shalt  }
0x4d: {  	_ =	shalt  }
0x4e: {  	_ =	shalt  }
0x4f: {  	_ =	shalt  }
0x50: {  	_ =	shalt  }
0x51: {  	_ =	shalt  }
0x52: {  	_ =	shalt  }
0x53: {  	_ =	shalt  }
0x54: {  	_ =	shalt  }
0x55: {  	_ =	shalt  }
0x56: {  	_ =	shalt  }
0x57: {  	_ =	shalt  }
0x58: {  	_ =	shalt  }
0x59: {  	_ =	shalt  }
0x5a: {  	_ =	shalt  }
0x5b: {  	_ =	shalt  }
0x5c: {  	_ =	shalt  }
0x5d: {  	_ =	shalt  }
0x5e: {  	_ =	shalt  }
0x5f: {  	_ =	shalt  }
0x60: {  	_ =	shalt  }
0x61: {  	_ =	shalt  }
0x62: {  	_ =	shalt  }
0x63: {  	_ =	shalt  }
0x64: {  	_ =	shalt  }
0x65: {  	_ =	shalt  }
0x66: {  	_ =	shalt  }
0x67: {  	_ =	shalt  }
0x68: {  	_ =	shalt  }
0x69: {  	_ =	shalt  }
0x6a: {  	_ =	shalt  }
0x6b: {  	_ =	shalt  }
0x6c: {  	_ =	shalt  }
0x6d: {  	_ =	shalt  }
0x6e: {  	_ =	shalt  }
0x6f: {  	_ =	shalt  }
0x70: {  	_ =	shalt  }
0x71: {  	_ =	shalt  }
0x72: {  	_ =	shalt  }
0x73: {  	_ =	shalt  }
0x74: {  	_ =	shalt  }
0x75: {  	_ =	shalt  }
0x76: {  	_ =	shalt  }
0x77: {  	_ =	shalt  }
0x78: {  	_ =	shalt  }
0x79: {  	_ =	shalt  }
0x7a: {  	_ =	shalt  }
0x7b: {  	_ =	shalt  }
0x7c: {  	_ =	shalt  }
0x7d: {  	_ =	shalt  }
0x7e: {  	_ =	shalt  }
0x7f: {  	_ =	shalt  }
0x80: {  	_ =	shalt  }
0x81: {  	_ =	shalt  }
0x82: {  	_ =	shalt  }
0x83: {  	_ =	shalt  }
0x84: {  	_ =	shalt  }
0x85: {  	_ =	shalt  }
0x86: {  	_ =	shalt  }
0x87: {  	_ =	shalt  }
.Lfunc_end0:
.L_simem_size_0:
called_computation.1_lowered:
.L_overlay_start_0:
0x88: {  	s2 =	sld [smem:$0x3FD9]  }
0x89: {  	s3 =	sld [smem:$0x3FFE];
	_ =	sdelay $0x1  }
0x8a: {  	s1 =	srdreg.scid  }
0x8b: {  	s0 =	sand.u32 $0x1, s1  }
0x8c: {  	s14 =	sshll.u32 s0, $0xA;
	s2 =	sadd.s32 s3, s2  }
0x8d: {  	s2 =	sadd.s32 s2, s14  }
0x8e: {  	[smem:$0x3FC5] =	sst s2  }
0x8f: {  	_ = 	snop  }
0x90: {  	s2 =	sld [smem:$0x3FD0];
	_ =	sdelay $0x2  }
0x91: {  	s4 =	simm.s32 $0xB;
	s5 =	simm.s32 $0x10;
	s15 =	sld [smem:$0x3FC8]  }
0x92: {  	[smem:s5], [sflag:s4] =	dma.local [hbm:s2], $0x1  }
0x93: {  	_ =	swait.eq [sflag:s4], $0x1  }
0x94: {  	[sflag:s4] =	ssyncset.done $0x0  }
0x95: {  	[sflag:s4] =	ssyncadd.s32 $0xFFFFFFFF  }
0x96: {  	s16 =	sld [smem:$0x11];
	(tm) =	ssettm $0x1  }
0x97: {  	s17 =	sld [smem:$0x3FFB];
	_ =	sdelay $0x3  }
0x98: {  	_ =	strace s17  }
0x99: {  	s4 =	sld [smem:$0x3FFC];
	_ =	sdelay $0x3  }
0x9a: {  	_ =	strace s4  }
0x9b: {  	s4 =	sld [smem:$0x3FFD];
	_ =	sdelay $0x3  }
0x9c: {  	_ =	strace s4  }
0x9d: {  	_ =	strace $0x8FFFFFFF  }
0x9e: {  	s18 =	sld [smem:$0x3FDB];
	_ =	sdelay $0x1  }
0x9f: {  	s19 =	simm.s32 $_scs_section_size  }
0xa0: {  	s6 =	simm.s32 $_size__tile_overlayer_lowered;
	s7 =	simm.s32 $_tile_overlayer_lowered  }
0xa1: {  	s22 =	simm.s32 $0x1BFF;
	s21 =	sshll.u32 s7, $0x1;
	s4 =	sadd.s32 s19, s18  }
0xa2: {  	s8 =	simm.s32 $0x0;
	s20 =	sshll.u32 s6, $0x1;
	s6 =	sadd.s32 s21, s4  }
0xa3: {  	[timem:s8], [sflag:s22] =	dma.local [hbm:s6], s20  }
0xa4: {  	_ =	swait.ge [sflag:s22], s20  }
0xa5: {  	s5 =	ssub.s32 $0x0, s20;
	[sflag:s22] =	ssyncset.done $0x0  }
0xa6: {  	[sflag:s22] =	ssyncadd.s32 s5;
	_ =	sdelay $0x1  }
0xa7: {  	s23 =	simm.s32 $0x1B8B  }
0xa8: {  	_ =	swait.ge [sflag:s23], $0x1  }
0xa9: {  	[sflag:s23] =	ssyncset.done $0x0  }
0xaa: {  	s25 =	simm.s32 $0x1B8E;
	s24 =	sld [smem:$0x3FFE];
	[sflag:s23] =	ssyncadd.s32 $0xFFFFFFFF  }
0xab: {  	s26 =	simm.s32 $execute0_lowered;
	[smem:$0x3FD2] =	sst s25  }
0xac: {  	s6 =	sshll.u32 s26, $0x1;
	_ =	strace $0x80000046;
	[dreg:$0x1] =	wrdreg $0xFFFFFFFF  }
0xad: {  	s28 =	simm.s32 $_size_execute0_lowered;
	s4 =	sadd.s32 s4, s6;
	[dreg:$0x0] =	wrdreg $0x0  }
0xae: {  	s6 =	sshll.u32 s28, $0x1;
	[dreg:$0x2] =	wrdreg s4  }
0xaf: {  	[dreg:$0x3] =	wrdreg s6  }
0xb0: {  	[dreg:$0x4] =	wrdreg $0xC0  }
0xb1: {  	_ =	task [dreg:s8], $0x5FFFF  }
0xb2: {  	[dreg:$0x1] =	wrdreg $0xFFFFFFFF  }
0xb3: {  	[dreg:$0x0] =	wrdreg $0x60  }
0xb4: {  	[dreg:$0x2] =	wrdreg s24  }
0xb5: {  	[dreg:$0x3] =	wrdreg s15  }
0xb6: {  	[dreg:$0x4] =	wrdreg s16  }
0xb7: {  	[dreg:$0x5] =	wrdreg $0xA  }
0xb8: {  	_ =	task.clear_ibuf [dreg:s8], $0x6FFFF;
	_ =	strace $0x90000046  }
0xb9: {  	s29 =	simm.s32 $0xA;
	_ =	strace $0x80000048  }
0xba: {  	_ =	swait.ge [sflag:s29], $0x1  }
0xbb: {  	[sflag:s29] =	ssyncadd.s32 $0xFFFFFFFF  }
0xbc: {  	_ =	strace $0x90000048  }
0xbd: {  	_ =	sfence  }
0xbe: {  	s30 =	sld [smem:$0x0];
	_ =	sdelay $0x2  }
0xbf: {  	s31 =	sshll.u32 s1, $0xD;
	s1 =	sshrl.u32 s1, $0x2  }
0xc0: {  	s3 =	sand.u32 $0x4000, s31;
	s1 =	sadd.s32 s1, s30  }
0xc1: {  	s0 =	sor.u32 s3, s0;
	s1 =	sshll.u32 s1, $0x11  }
0xc2: {  	s0 =	sor.u32 s1, s0  }
0xc3: {  	s0 =	sadd.s32 $0x8F2B, s0  }
0xc4: {  	[sflag:s0] =	ssyncadd.remote.s32 $0x1  }
0xc5: {  	_ =	sfence.sel $0xFFFF  }
0xc6: {  	[dreg:$0x0] =	wrdreg $0xFFFFFFFF;
	(pc) =	sbr.abs _section_cstart, $3  }
0xc7: {  	[dreg:$0x1] =	wrdreg $0xFFFFFFFF  }
0xc8: {  	_ =	task.clear_ibuf [dreg:s8], $0x2FFFF;
	_ =	strace $0x9FFFFFFF  }
0xc9: {  	(tm) =	ssettm $0x7FFFFFFF  }
tec
execute0_lowered:
.L_overlay_start_1:
0x0: {  	(tag) =	ssettag $0x1  }
0x1: {  	s5 =	rddreg [dreg:$0x0]  }
0x2: {  	s1 =	srdreg.scid;
	s3 =	rddreg [dreg:$0x1]  }
0x3: {  	s0 =	stileid.u32;
	s8 =	rddreg [dreg:$0x2];
	s6 =	sand.u32 $0x1, s1  }
0x4: {  	s2 =	simm.s32 $0x0;
	s4 =	sshll.u32 s0, $0x8;
	s7 =	sshll.u32 s6, $0x7  }
0x5: {  	[smem:$0x7FF] =	sst s2;
	s9 =	sor.u32 s7, s4  }
0x6: {  	s1 =	rddreg [dreg:$0x3];
	_ =	strace $0x80000047;
	s4 =	sshrl.u32 s9, $0x3  }
0x7: {  	s10 =	ssub.s32 $0x2, s6;
	s4 =	sadd.s32 s3, s4;
	s3 =	simm.s32 $0x2  }
0x8: {  	[tilespmem:s2], [sflag:$0x2] =	stream.linear.gather [hbm4b:s4+s2], $0x80, $0x38;
	[tilespmem:$0x880] =	vst v63  }
0x9: {  	s5 =	sadd.s32 $0x800, s5;
	s11 =	sshrl.u32 s10, $0x1;
	_ =	swait.ge [sflag:s3], $0x80  }
0xa: {  	s6 =	simm.s32 $0x80;
	s10 =	ssub.s32 s10, s11;
	[sflag:s3] =	ssyncset.done $0x0  }
0xb: {  	s7 =	simm.s32 $0x1;
	s31 =	smax.u32 s10, $0x1;
	[sflag:s3] =	ssyncadd.s32 $0xFFFFFF80  }
0xc: {  	[tilespmem:s6], [sflag:$0x1] =	stream.indirect.gather [hbm4b:s5+s6], $0x10, s2, s6, $0xb8;
	[tilespmem:$0x880] =	vst v63  }
0xd: {  	p0 =	sne.s32 s31, $0x1;
	_ =	swait.ge [sflag:s7], $0x800  }
.Ltmp0:
0xe: {  	s9 =	sshll.u32 s9, $0x1;
	[sflag:s7] =	ssyncset.done $0x0;
	(pc) =	sbr.rel @!p0 .LBB2_2-.Ltmp0, $4  }
0xf: {  	s8 =	sadd.s32 s8, s9;
	[sflag:s7] =	ssyncadd.s32 $0xFFFFF800  }
0x10: {  	[hbm4b:s8+s2] =	stream.linear.scatter [tilespmem:s6], [sflag:$0x2], $0x800, $0x38;
	[tilespmem:$0x880] =	vst v63  }
0x11: {  	_ =	swait.ge [sflag:s3], $0x800  }
0x12: {  	s9 =	sadd.s32 $0xFFFFFFFF, s31;
	[sflag:s3] =	ssyncset.done $0x0  }
.LBB2_1:
0x13: {  	p0 =	sne.s32 s9, $0x1;
	s9 =	sadd.s32 $0xFFFFFFFF, s9;
	[sflag:s3] =	ssyncadd.s32 $0xFFFFF800  }
0x14: {  	[tilespmem:s2], [sflag:$0x2] =	stream.linear.gather [hbm4b:s4+s2], $0x80, $0x38;
	[tilespmem:$0x880] =	vst v63  }
0x15: {  	_ =	swait.ge [sflag:s3], $0x80  }
0x16: {  	[sflag:s3] =	ssyncset.done $0x0  }
0x17: {  	[sflag:s3] =	ssyncadd.s32 $0xFFFFFF80  }
0x18: {  	[tilespmem:s6], [sflag:$0x1] =	stream.indirect.gather [hbm4b:s5+s6], $0x10, s2, s6, $0xb8;
	[tilespmem:$0x880] =	vst v63  }
0x19: {  	_ =	swait.ge [sflag:s7], $0x800  }
.Ltmp1:
0x1a: {  	[sflag:s7] =	ssyncset.done $0x0;
	(pc) =	sbr.rel @p0 .LBB2_1-.Ltmp1, $4  }
0x1b: {  	[sflag:s7] =	ssyncadd.s32 $0xFFFFF800  }
0x1c: {  	[hbm4b:s8+s2] =	stream.linear.scatter [tilespmem:s6], [sflag:$0x2], $0x800, $0x38;
	[tilespmem:$0x880] =	vst v63  }
0x1d: {  	_ =	swait.ge [sflag:s3], $0x800  }
0x1e: {  	[sflag:s3] =	ssyncset.done $0x0  }
.LBB2_2:
0x1f: {  	[sflag:s3] =	ssyncadd.s32 $0xFFFFF800  }
0x20: {  	_ =	sfence.sel $0x180000  }
0x21: {  	[bflag:$0x0] =	sbarrier.arrive $0xFFFF  }
0x22: {  	p0 =	sne.s32 s0, $0x0;
	_ =	strace $0x90000047  }
0x23: {  	s0 =	sadd.s32 @!p0 $0x100000, s1;
	[bflag:$0x2] =	sbarrier.arrive $0xFFFF  }
0x24: {  	[sflag:s0] =	ssyncadd.tile.s32 @!p0 $0x1;
	_ =	shalt  }
.Lfunc_end2:
_tile_overlayer_lowered:
.L_overlay_start_2:
0x25: {  	(tag) =	ssettag $0x2  }
0x26: {  	s0 =	rddreg [dreg:$0x0];
	s2 =	stileid.u32  }
0x27: {  	s1 =	rddreg [dreg:$0x1];
	p0 =	sne.s32 s2, $0x0  }
0x28: {  	s3 =	rddreg [dreg:$0x2];
	[bflag:$0x3] =	sbarrier.arrive $0xFFFF;
	s2 =	simm.s32 @!p0 $0x1C02  }
0x29: {  	[timem:s3], [sflag:s2] =	dma.local @!p0 [hbm:s0], s1  }
0x2a: {  	s0 =	simm.s32 @!p0 $0x2  }
0x2b: {  	_ =	swait.ge @!p0 [sflag:s0], s1  }
0x2c: {  	s1 =	ssub.s32 @!p0 $0x0, s1;
	[sflag:s0] =	ssyncset.done @!p0 $0x0  }
0x2d: {  	[sflag:s0] =	ssyncadd.s32 @!p0 s1  }
0x2e: {  	[bflag:$0x3] =	sbarrier.arrive $0xFFFF  }
0x2f: {  	_ =	shalt  }

</sc_bundles>
